<compile_context>
chip_gen: v7x
topology: tpu7x:2x2x1
jax: 0.10.2.dev20260603
libtpu: 0.0.44.dev20260713+nightly
codegen_flags: <defaults>
</compile_context>

<pallas_src>
import functools
import math

import jax
import jax.numpy as jnp
from jax import lax
from jax.experimental import pallas as pl
from jax.experimental.pallas import tpu as pltpu
from jax.experimental.pallas import tpu_sc as plsc

_N = 10000
_E = 320000
_C = 128
_L = 2
_H = 4
_DH = _C // _H

_NC = 2
_NS = 16
_NW = _NC * _NS
_EPW = _E // _NW
_CHUNK = 80
_NCHUNK = _EPW // _CHUNK
_RPT = 624
_RPT_LAST = _N - (_NS - 1) * _RPT



def _sc_scatter_body(x_hbm, src_hbm, dst_hbm, zeros_hbm, out_hbm,
                     agg_sh, src_v, dst_v, rows_v, *sems):
    cid = lax.axis_index("c")
    sid = lax.axis_index("s")
    wid = sid * _NC + cid
    @pl.when(sid < _NS - 1)
    def _():
        pltpu.sync_copy(zeros_hbm.at[pl.ds(sid * _RPT, _RPT)],
                        agg_sh.at[pl.ds(sid * _RPT, _RPT)])

    @pl.when(sid == _NS - 1)
    def _():
        pltpu.sync_copy(zeros_hbm.at[pl.ds((_NS - 1) * _RPT, _RPT_LAST)],
                        agg_sh.at[pl.ds((_NS - 1) * _RPT, _RPT_LAST)])

    plsc.subcore_barrier()

    pltpu.sync_copy(src_hbm.at[wid], src_v)
    pltpu.sync_copy(dst_hbm.at[wid], dst_v)

    def body(c, carry):
        pltpu.async_copy(x_hbm.at[src_v.at[c]], rows_v, sems[0]).wait()
        pltpu.sync_copy(rows_v, agg_sh.at[dst_v.at[c]], add=True)
        return carry

    lax.fori_loop(0, _NCHUNK, body, 0)
    plsc.subcore_barrier()

    @pl.when(sid < _NS - 1)
    def _():
        pltpu.sync_copy(agg_sh.at[pl.ds(sid * _RPT, _RPT)],
                        out_hbm.at[cid, pl.ds(sid * _RPT, _RPT)])

    @pl.when(sid == _NS - 1)
    def _():
        pltpu.sync_copy(agg_sh.at[pl.ds((_NS - 1) * _RPT, _RPT_LAST)],
                        out_hbm.at[cid, pl.ds((_NS - 1) * _RPT, _RPT_LAST)])


def _sc_scatter(x, src, dst, zeros):
    mesh = plsc.VectorSubcoreMesh(core_axis_name="c", subcore_axis_name="s")
    return pl.kernel(
        _sc_scatter_body,
        out_type=jax.ShapeDtypeStruct((_NC, _N, _C), jnp.float32),
        mesh=mesh,
        scratch_types=[
            pltpu.VMEM_SHARED((_N, _C), jnp.float32),
            pltpu.VMEM((_NCHUNK, _CHUNK), jnp.int32),
            pltpu.VMEM((_NCHUNK, _CHUNK), jnp.int32),
            pltpu.VMEM((_CHUNK, _C), jnp.float32),
        ] + [pltpu.SemaphoreType.DMA],
    )(x, src, dst, zeros)



def _bn_in_kernel(r, g, b):
    m = jnp.mean(r, axis=0, keepdims=True)
    ms = jnp.mean(r * r, axis=0, keepdims=True)
    v = ms - m * m
    return (r - m) * lax.rsqrt(v + 1e-5) * g + b


_QSCALE = math.log2(math.e) / math.sqrt(_DH)


def _qkv_body(x_ref, inw_ref, inb_ref, q_ref, k_ref, v_ref):
    xb = x_ref[...].astype(jnp.bfloat16)
    w = inw_ref[0]
    b = inb_ref[0]
    qkv = (jnp.dot(xb, w, preferred_element_type=jnp.float32) + b)
    q_ref[0] = (qkv[:, :_DH] * _QSCALE).astype(jnp.bfloat16)
    k_ref[0] = qkv[:, _DH:2 * _DH].astype(jnp.bfloat16)
    v_ref[0] = jnp.concatenate(
        [qkv[:, 2 * _DH:].astype(jnp.bfloat16),
         jnp.ones((_N, 1), jnp.bfloat16)], axis=1)


def _qkv_call(x, inwt, inb):
    return pl.pallas_call(
        _qkv_body,
        grid=(_H,),
        in_specs=[
            pl.BlockSpec((_N, _C), lambda h: (0, 0)),
            pl.BlockSpec((1, _C, 3 * _DH), lambda h: (h, 0, 0)),
            pl.BlockSpec((1, 1, 3 * _DH), lambda h: (h, 0, 0)),
        ],
        out_specs=(
            pl.BlockSpec((1, _N, _DH), lambda h: (h, 0, 0)),
            pl.BlockSpec((1, _N, _DH), lambda h: (h, 0, 0)),
            pl.BlockSpec((1, _N, _DH + 1), lambda h: (h, 0, 0)),
        ),
        out_shape=(
            jax.ShapeDtypeStruct((_H, _N, _DH), jnp.bfloat16),
            jax.ShapeDtypeStruct((_H, _N, _DH), jnp.bfloat16),
            jax.ShapeDtypeStruct((_H, _N, _DH + 1), jnp.bfloat16),
        ),
    )(x, inwt, inb)



def _gin_body(x_ref, a0_ref, a1_ref, gw1_ref, gb1_ref, gw2_ref, gb2_ref,
              g_ref, b_ref, h1_ref):
    x = x_ref[...]
    h = (x + a0_ref[...] + a1_ref[...]).astype(jnp.bfloat16)
    t = jnp.maximum(
        jnp.dot(h, gw1_ref[...], preferred_element_type=jnp.float32)
        + gb1_ref[...], 0.0).astype(jnp.bfloat16)
    t = jnp.dot(t, gw2_ref[...], preferred_element_type=jnp.float32) + gb2_ref[...]
    h1_ref[...] = _bn_in_kernel(t + x, g_ref[...], b_ref[...])


def _gin_call(x, a0, a1, gw1t, gb1, gw2t, gb2, g, b):
    return pl.pallas_call(
        _gin_body,
        out_shape=jax.ShapeDtypeStruct((_N, _C), jnp.float32),
    )(x, a0, a1, gw1t, gb1, gw2t, gb2, g, b)


def _mix_core(x, h1, o, outw, outb, n2g, n2b, mw1, mb1, mw2, mb2,
              n3g, n3b):
    h2 = outb + x
    for hh in range(_H):
        h2 = h2 + jnp.dot(o[hh].astype(jnp.bfloat16), outw[hh],
                          preferred_element_type=jnp.float32)
    h2 = _bn_in_kernel(h2, n2g, n2b)
    out = h1 + h2
    ff = jnp.maximum(
        jnp.dot(out.astype(jnp.bfloat16), mw1,
                preferred_element_type=jnp.float32) + mb1,
        0.0).astype(jnp.bfloat16)
    ff = jnp.dot(ff, mw2, preferred_element_type=jnp.float32) + mb2
    return _bn_in_kernel(out + ff, n3g, n3b)


def _mix0_body(x_ref, h1_ref, o_ref, outw_ref, outb_ref, n2g_ref,
               n2b_ref, mw1_ref, mb1_ref, mw2_ref, mb2_ref, n3g_ref,
               n3b_ref, xo_ref):
    xo_ref[...] = _mix_core(
        x_ref[...], h1_ref[...], o_ref, outw_ref, outb_ref[...],
        n2g_ref[...], n2b_ref[...], mw1_ref[...], mb1_ref[...],
        mw2_ref[...], mb2_ref[...], n3g_ref[...], n3b_ref[...])


def _mix0_call(x, h1, o, outwt, outb, n2g, n2b, mw1t, mb1, mw2t, mb2,
               n3g, n3b):
    return pl.pallas_call(
        _mix0_body,
        out_shape=jax.ShapeDtypeStruct((_N, _C), jnp.float32),
    )(x, h1, o, outwt, outb, n2g, n2b, mw1t, mb1, mw2t, mb2, n3g, n3b)


def _mix1_body(x_ref, h1_ref, o_ref, outw_ref, outb_ref, n2g_ref,
               n2b_ref, mw1_ref, mb1_ref, mw2_ref, mb2_ref, n3g_ref,
               n3b_ref, hw1_ref, hb1_ref, hw2_ref, hb2_ref, hw3_ref,
               hb3_ref, out_ref):
    xo = _mix_core(
        x_ref[...], h1_ref[...], o_ref, outw_ref, outb_ref[...],
        n2g_ref[...], n2b_ref[...], mw1_ref[...], mb1_ref[...],
        mw2_ref[...], mb2_ref[...], n3g_ref[...], n3b_ref[...])
    h = jnp.maximum(
        jnp.dot(xo, hw1_ref[...], preferred_element_type=jnp.float32)
        + hb1_ref[...], 0.0)
    h = jnp.maximum(
        jnp.dot(h, hw2_ref[...], preferred_element_type=jnp.float32)
        + hb2_ref[...], 0.0)
    out_ref[...] = (jnp.dot(h, hw3_ref[...], preferred_element_type=jnp.float32)
                    + hb3_ref[...])


def _mix1_call(x, h1, o, outwt, outb, n2g, n2b, mw1t, mb1, mw2t, mb2,
               n3g, n3b, hw1t, hb1, hw2t, hb2, hw3t, hb3):
    return pl.pallas_call(
        _mix1_body,
        out_shape=jax.ShapeDtypeStruct((_N, 1), jnp.float32),
    )(x, h1, o, outwt, outb, n2g, n2b, mw1t, mb1, mw2t, mb2, n3g, n3b,
      hw1t, hb1, hw2t, hb2, hw3t, hb3)


_BQ = 2000
_NQB = _N // _BQ


def _flash_body(q_ref, k_ref, v_ref, o_ref):
    q = q_ref[0]
    k = k_ref[0]
    s = lax.dot_general(q, k, (((1,), (1,)), ((), ())),
                        preferred_element_type=jnp.float32)
    p = jnp.exp2(jnp.minimum(s, 87.0)).astype(jnp.bfloat16)
    acc = jnp.dot(p, v_ref[0], preferred_element_type=jnp.float32)
    o_ref[0] = acc[:, :_DH] / acc[:, _DH:_DH + 1]


def _flash_call(q, k, v_ext):
    return pl.pallas_call(
        _flash_body,
        grid=(_H, _NQB),
        in_specs=[
            pl.BlockSpec((1, _BQ, _DH), lambda h, i: (h, i, 0)),
            pl.BlockSpec((1, _N, _DH), lambda h, i: (h, 0, 0)),
            pl.BlockSpec((1, _N, _DH + 1), lambda h, i: (h, 0, 0)),
        ],
        out_specs=pl.BlockSpec((1, _BQ, _DH), lambda h, i: (h, i, 0)),
        out_shape=jax.ShapeDtypeStruct((_H, _N, _DH), jnp.float32),
    )(q, k, v_ext)



def kernel(x, edge_index, gin_w1, gin_b1, gin_w2, gin_b2, attn_in_w, attn_in_b,
           attn_out_w, attn_out_b, n1_g, n1_b, n2_g, n2_b, n3_g, n3_b,
           mlp_w1, mlp_b1, mlp_w2, mlp_b2, head_w1, head_b1, head_w2, head_b2,
           head_w3, head_b3):
    src = edge_index[0].reshape(_NW, _NCHUNK, _CHUNK)
    dst = edge_index[1].reshape(_NW, _NCHUNK, _CHUNK)
    zeros = jnp.zeros((_N, _C), jnp.float32)

    def row(a):
        return a.reshape(1, -1)

    def inw_layout(l):
        w = (attn_in_w[l].T.reshape(_C, 3, _H, _DH)
             .transpose(2, 0, 1, 3).reshape(_H, _C, 3 * _DH)
             .astype(jnp.bfloat16))
        b = (attn_in_b[l].reshape(3, _H, _DH)
             .transpose(1, 0, 2).reshape(_H, 1, 3 * _DH))
        return w, b

    def gin_args(l):
        return (gin_w1[l].T.astype(jnp.bfloat16), row(gin_b1[l]),
                gin_w2[l].T.astype(jnp.bfloat16), row(gin_b2[l]),
                row(n1_g[l]), row(n1_b[l]))

    def mix_args(l):
        outwt = attn_out_w[l].T.reshape(_H, _DH, _C).astype(jnp.bfloat16)
        return (outwt, row(attn_out_b[l]),
                row(n2_g[l]), row(n2_b[l]),
                mlp_w1[l].T.astype(jnp.bfloat16), row(mlp_b1[l]),
                mlp_w2[l].T.astype(jnp.bfloat16), row(mlp_b2[l]),
                row(n3_g[l]), row(n3_b[l]))

    inw0, inb0 = inw_layout(0)
    inw1, inb1 = inw_layout(1)

    q, k, v_ext = _qkv_call(x, inw0, inb0)
    agg = _sc_scatter(x, src, dst, zeros)
    o = _flash_call(q, k, v_ext)
    h1 = _gin_call(x, agg[0], agg[1], *gin_args(0))
    x = _mix0_call(x, h1, o, *mix_args(0))

    q, k, v_ext = _qkv_call(x, inw1, inb1)
    agg = _sc_scatter(x, src, dst, zeros)
    o = _flash_call(q, k, v_ext)
    h1 = _gin_call(x, agg[0], agg[1], *gin_args(1))
    return _mix1_call(x, h1, o, *mix_args(1),
                      head_w1.T, row(head_b1), head_w2.T, row(head_b2),
                      head_w3.T, row(head_b3))

# --- scband reference (transcript-rebuilt; emitter-appended) ---
"""Pipeline reference for scband-gps-89103391523003 (READ-ONLY COPY).

The authoritative reference and input builder live on the scoring server;
editing this copy changes nothing except your own understanding.
"""

import jax, jax.numpy as jnp
import numpy as np

N = 10000
E = 320000
C = 128
L = 2
H = 4
DH = C // H


def setup_inputs(seed: int = 0) -> dict:
    key = jax.random.key(seed)
    ks = jax.random.split(key, 16)
    s = 0.05
    inp = {
        "x": jax.random.normal(ks[0], (N, C), dtype=jnp.float32),
        "edge_index": jax.random.randint(ks[1], (2, E), 0, N, dtype=jnp.int32),
        "gin_w1": jax.random.normal(ks[2], (L, C, C), dtype=jnp.float32) * s,
        "gin_b1": jnp.zeros((L, C), dtype=jnp.float32),
        "gin_w2": jax.random.normal(ks[3], (L, C, C), dtype=jnp.float32) * s,
        "gin_b2": jnp.zeros((L, C), dtype=jnp.float32),
        "attn_in_w": jax.random.normal(ks[4], (L, 3 * C, C), dtype=jnp.float32) * s,
        "attn_in_b": jnp.zeros((L, 3 * C), dtype=jnp.float32),
        "attn_out_w": jax.random.normal(ks[5], (L, C, C), dtype=jnp.float32) * s,
        "attn_out_b": jnp.zeros((L, C), dtype=jnp.float32),
        "n1_g": jnp.ones((L, C), dtype=jnp.float32),
        "n1_b": jnp.zeros((L, C), dtype=jnp.float32),
        "n2_g": jnp.ones((L, C), dtype=jnp.float32),
        "n2_b": jnp.zeros((L, C), dtype=jnp.float32),
        "n3_g": jnp.ones((L, C), dtype=jnp.float32),
        "n3_b": jnp.zeros((L, C), dtype=jnp.float32),
        "mlp_w1": jax.random.normal(ks[6], (L, 2 * C, C), dtype=jnp.float32) * s,
        "mlp_b1": jnp.zeros((L, 2 * C), dtype=jnp.float32),
        "mlp_w2": jax.random.normal(ks[7], (L, C, 2 * C), dtype=jnp.float32) * s,
        "mlp_b2": jnp.zeros((L, C), dtype=jnp.float32),
        "head_w1": jax.random.normal(ks[8], (C // 2, C), dtype=jnp.float32) * s,
        "head_b1": jnp.zeros((C // 2,), dtype=jnp.float32),
        "head_w2": jax.random.normal(ks[9], (C // 4, C // 2), dtype=jnp.float32) * s,
        "head_b2": jnp.zeros((C // 4,), dtype=jnp.float32),
        "head_w3": jax.random.normal(ks[10], (1, C // 4), dtype=jnp.float32) * s,
        "head_b3": jnp.zeros((1,), dtype=jnp.float32),
    }
    return inp


def _bn(h, g, b):
    m = h.mean(axis=0)
    v = h.var(axis=0)
    return (h - m) / jnp.sqrt(v + 1e-5) * g + b


def _attn(x, in_w, in_b, out_w, out_b):
    qkv = x @ in_w.T + in_b
    q, k, v = jnp.split(qkv, 3, axis=-1)
    q = q.reshape(N, H, DH).transpose(1, 0, 2)
    k = k.reshape(N, H, DH).transpose(1, 0, 2)
    v = v.reshape(N, H, DH).transpose(1, 0, 2)
    scores = (q @ k.transpose(0, 2, 1)) / jnp.sqrt(jnp.float32(DH))
    a = jax.nn.softmax(scores, axis=-1)
    o = (a @ v).transpose(1, 0, 2).reshape(N, C)
    return o @ out_w.T + out_b


def reference(x, edge_index, gin_w1, gin_b1, gin_w2, gin_b2, attn_in_w, attn_in_b, attn_out_w, attn_out_b, n1_g, n1_b, n2_g, n2_b, n3_g, n3_b, mlp_w1, mlp_b1, mlp_w2, mlp_b2, head_w1, head_b1, head_w2, head_b2, head_w3, head_b3):
    src = edge_index[0]
    dst = edge_index[1]
    for l in range(L):
        # GINConv (eps=0): nn(x + sum-aggregated neighbors)
        agg = jnp.zeros_like(x).at[dst].add(x[src])
        h = x + agg
        h = jax.nn.relu(h @ gin_w1[l].T + gin_b1[l]) @ gin_w2[l].T + gin_b2[l]
        h1 = _bn(h + x, n1_g[l], n1_b[l])
        # global multihead attention branch (single graph, no padding mask)
        h2 = _attn(x, attn_in_w[l], attn_in_b[l], attn_out_w[l], attn_out_b[l])
        h2 = _bn(h2 + x, n2_g[l], n2_b[l])
        out = h1 + h2
        ff = jax.nn.relu(out @ mlp_w1[l].T + mlp_b1[l]) @ mlp_w2[l].T + mlp_b2[l]
        out = _bn(out + ff, n3_g[l], n3_b[l])
        x = out
    h = jax.nn.relu(x @ head_w1.T + head_b1)
    h = jax.nn.relu(h @ head_w2.T + head_b2)
    return h @ head_w3.T + head_b3

if __name__ == "__main__":
    import jax
    _d = setup_inputs()
    print(jax.jit(kernel)(*tuple(_d.values())))

</pallas_src>

<mosaic_0001>
#map = affine_map<(d0, d1) -> (0, 0)>
#map1 = affine_map<(d0, d1) -> (0, 0, 0)>
module attributes {stable_mosaic.version = 14 : i64} {
  func.func @_sc_scatter_body(%arg0: i32, %arg1: i32, %arg2: memref<10000x128xf32, #tpu.memory_space<hbm>>, %arg3: memref<32x125x80xi32, #tpu.memory_space<hbm>>, %arg4: memref<32x125x80xi32, #tpu.memory_space<hbm>>, %arg5: memref<10000x128xf32, #tpu.memory_space<hbm>>, %arg6: memref<2x10000x128xf32, #tpu.memory_space<hbm>>, %arg7: memref<10000x128xf32, #tpu.memory_space<vmem_shared>>, %arg8: memref<125x80xi32, #tpu.memory_space<vmem>>, %arg9: memref<125x80xi32, #tpu.memory_space<vmem>>, %arg10: memref<80x128xf32, #tpu.memory_space<vmem>>, %arg11: memref<!tpu.dma_semaphore, #tpu.memory_space<semaphore_mem>>) attributes {dimension_semantics = [#tpu.dimension_semantics<core_parallel>, #tpu.dimension_semantics<subcore_parallel>], iteration_bounds = array<i64: 2, 16>, scalar_prefetch = 0 : i64, scratch_operands = 5 : i64, tpu.core_type = #tpu.core_type<sc_vector_subcore>, window_params = [{transform_indices = #map}, {transform_indices = #map1}, {transform_indices = #map1}, {transform_indices = #map}, {transform_indices = #map1}]} {
    %mul3A = arith.constant 2 : i32
    %mul3A_0 = arith.muli %arg1, %mul3A : i32
    %add3A = arith.addi %mul3A_0, %arg0 : i32
    %lt3A = arith.constant 15 : i32
    %lt3A_1 = arith.cmpi slt, %arg1, %lt3A : i32
    %convert_element_type3A = arith.extui %lt3A_1 : i1 to i32
    %cond3A = arith.constant 0 : i32
    %cond3A_2 = arith.cmpi ne, %convert_element_type3A, %cond3A : i32
    scf.if %cond3A_2 {
      %mul3A_23 = arith.constant 624 : i32
      %mul3A_24 = arith.muli %arg1, %mul3A_23 : i32
      %mul3A_25 = arith.constant 624 : i32
      %mul3A_26 = arith.muli %arg1, %mul3A_25 : i32
      "tpu.region"() ({
        %run_scoped3A = tpu.sem_alloc : memref<!tpu.dma_semaphore, #tpu.memory_space<semaphore_mem>>
        %dma_start3A = arith.constant 0 : i32
        %dma_start3A_27 = tpu.memref_slice %arg7[%mul3A_26, %dma_start3A] : memref<10000x128xf32, #tpu.memory_space<vmem_shared>> -> memref<624x128xf32, #tpu.memory_space<vmem_shared>>
        %dma_start3A_28 = arith.constant 0 : i32
        %dma_start3A_29 = tpu.memref_slice %arg5[%mul3A_24, %dma_start3A_28] : memref<10000x128xf32, #tpu.memory_space<hbm>> -> memref<624x128xf32, #tpu.memory_space<hbm>>
        tpu.enqueue_dma source(%dma_start3A_29 : memref<624x128xf32, #tpu.memory_space<hbm>>) target(%dma_start3A_27 : memref<624x128xf32, #tpu.memory_space<vmem_shared>>) target_semaphore(%run_scoped3A : memref<!tpu.dma_semaphore, #tpu.memory_space<semaphore_mem>>)
        %dma_wait3A = arith.constant 0 : i32
        %dma_wait3A_30 = tpu.memref_slice %arg7[%mul3A_26, %dma_wait3A] : memref<10000x128xf32, #tpu.memory_space<vmem_shared>> -> memref<624x128xf32, #tpu.memory_space<vmem_shared>>
        %dma_wait3A_31 = arith.constant 0 : i32
        %dma_wait3A_32 = tpu.memref_slice %arg5[%mul3A_24, %dma_wait3A_31] : memref<10000x128xf32, #tpu.memory_space<hbm>> -> memref<624x128xf32, #tpu.memory_space<hbm>>
        tpu.wait_dma2 semaphore(%run_scoped3A : memref<!tpu.dma_semaphore, #tpu.memory_space<semaphore_mem>>) src(%dma_wait3A_32 : memref<624x128xf32, #tpu.memory_space<hbm>>) dst(%dma_wait3A_30 : memref<624x128xf32, #tpu.memory_space<vmem_shared>>)
        tpu.yield
      }) : () -> ()
    } else {
    }
    %eq3A = arith.constant 15 : i32
    %eq3A_3 = arith.cmpi eq, %arg1, %eq3A : i32
    %convert_element_type3A_4 = arith.extui %eq3A_3 : i1 to i32
    %cond3A_5 = arith.constant 0 : i32
    %cond3A_6 = arith.cmpi ne, %convert_element_type3A_4, %cond3A_5 : i32
    scf.if %cond3A_6 {
      "tpu.region"() ({
        %run_scoped3A = tpu.sem_alloc : memref<!tpu.dma_semaphore, #tpu.memory_space<semaphore_mem>>
        %dma_start3A = arith.constant 9360 : i32
        %dma_start3A_23 = arith.constant 0 : i32
        %dma_start3A_24 = tpu.memref_slice %arg7[%dma_start3A, %dma_start3A_23] : memref<10000x128xf32, #tpu.memory_space<vmem_shared>> -> memref<640x128xf32, #tpu.memory_space<vmem_shared>>
        %dma_start3A_25 = arith.constant 9360 : i32
        %dma_start3A_26 = arith.constant 0 : i32
        %dma_start3A_27 = tpu.memref_slice %arg5[%dma_start3A_25, %dma_start3A_26] : memref<10000x128xf32, #tpu.memory_space<hbm>> -> memref<640x128xf32, #tpu.memory_space<hbm>>
        tpu.enqueue_dma source(%dma_start3A_27 : memref<640x128xf32, #tpu.memory_space<hbm>>) target(%dma_start3A_24 : memref<640x128xf32, #tpu.memory_space<vmem_shared>>) target_semaphore(%run_scoped3A : memref<!tpu.dma_semaphore, #tpu.memory_space<semaphore_mem>>)
        %dma_wait3A = arith.constant 9360 : i32
        %dma_wait3A_28 = arith.constant 0 : i32
        %dma_wait3A_29 = tpu.memref_slice %arg7[%dma_wait3A, %dma_wait3A_28] : memref<10000x128xf32, #tpu.memory_space<vmem_shared>> -> memref<640x128xf32, #tpu.memory_space<vmem_shared>>
        %dma_wait3A_30 = arith.constant 9360 : i32
        %dma_wait3A_31 = arith.constant 0 : i32
        %dma_wait3A_32 = tpu.memref_slice %arg5[%dma_wait3A_30, %dma_wait3A_31] : memref<10000x128xf32, #tpu.memory_space<hbm>> -> memref<640x128xf32, #tpu.memory_space<hbm>>
        tpu.wait_dma2 semaphore(%run_scoped3A : memref<!tpu.dma_semaphore, #tpu.memory_space<semaphore_mem>>) src(%dma_wait3A_32 : memref<640x128xf32, #tpu.memory_space<hbm>>) dst(%dma_wait3A_29 : memref<640x128xf32, #tpu.memory_space<vmem_shared>>)
        tpu.yield
      }) : () -> ()
    } else {
    }
    %barrier3A = arith.constant 0 : index
    tpu.barrier barrier_id(%barrier3A)
    "tpu.region"() ({
      %run_scoped3A = tpu.sem_alloc : memref<!tpu.dma_semaphore, #tpu.memory_space<semaphore_mem>>
      %dma_start3A = arith.constant 0 : i32
      %dma_start3A_23 = arith.constant 0 : i32
      %dma_start3A_24 = tpu.memref_slice %arg3[%add3A, %dma_start3A, %dma_start3A_23] : memref<32x125x80xi32, #tpu.memory_space<hbm>> -> memref<1x125x80xi32, #tpu.memory_space<hbm>>
      %dma_start3A_25 = tpu.memref_squeeze %dma_start3A_24 : memref<1x125x80xi32, #tpu.memory_space<hbm>> -> memref<125x80xi32, #tpu.memory_space<hbm>>
      %dma_start3A_26 = arith.constant 0 : i32
      %dma_start3A_27 = arith.constant 0 : i32
      %dma_start3A_28 = tpu.memref_slice %arg3[%add3A, %dma_start3A_26, %dma_start3A_27] : memref<32x125x80xi32, #tpu.memory_space<hbm>> -> memref<1x125x80xi32, #tpu.memory_space<hbm>>
      %dma_start3A_29 = tpu.memref_squeeze %dma_start3A_28 : memref<1x125x80xi32, #tpu.memory_space<hbm>> -> memref<125x80xi32, #tpu.memory_space<hbm>>
      tpu.enqueue_dma source(%dma_start3A_29 : memref<125x80xi32, #tpu.memory_space<hbm>>) target(%arg8 : memref<125x80xi32, #tpu.memory_space<vmem>>) target_semaphore(%run_scoped3A : memref<!tpu.dma_semaphore, #tpu.memory_space<semaphore_mem>>)
      %dma_wait3A = arith.constant 0 : i32
      %dma_wait3A_30 = arith.constant 0 : i32
      %dma_wait3A_31 = tpu.memref_slice %arg3[%add3A, %dma_wait3A, %dma_wait3A_30] : memref<32x125x80xi32, #tpu.memory_space<hbm>> -> memref<1x125x80xi32, #tpu.memory_space<hbm>>
      %dma_wait3A_32 = tpu.memref_squeeze %dma_wait3A_31 : memref<1x125x80xi32, #tpu.memory_space<hbm>> -> memref<125x80xi32, #tpu.memory_space<hbm>>
      %dma_wait3A_33 = arith.constant 0 : i32
      %dma_wait3A_34 = arith.constant 0 : i32
      %dma_wait3A_35 = tpu.memref_slice %arg3[%add3A, %dma_wait3A_33, %dma_wait3A_34] : memref<32x125x80xi32, #tpu.memory_space<hbm>> -> memref<1x125x80xi32, #tpu.memory_space<hbm>>
      %dma_wait3A_36 = tpu.memref_squeeze %dma_wait3A_35 : memref<1x125x80xi32, #tpu.memory_space<hbm>> -> memref<125x80xi32, #tpu.memory_space<hbm>>
      tpu.wait_dma2 semaphore(%run_scoped3A : memref<!tpu.dma_semaphore, #tpu.memory_space<semaphore_mem>>) src(%dma_wait3A_36 : memref<125x80xi32, #tpu.memory_space<hbm>>) dst(%arg8 : memref<125x80xi32, #tpu.memory_space<vmem>>)
      tpu.yield
    }) : () -> ()
    "tpu.region"() ({
      %run_scoped3A = tpu.sem_alloc : memref<!tpu.dma_semaphore, #tpu.memory_space<semaphore_mem>>
      %dma_start3A = arith.constant 0 : i32
      %dma_start3A_23 = arith.constant 0 : i32
      %dma_start3A_24 = tpu.memref_slice %arg4[%add3A, %dma_start3A, %dma_start3A_23] : memref<32x125x80xi32, #tpu.memory_space<hbm>> -> memref<1x125x80xi32, #tpu.memory_space<hbm>>
      %dma_start3A_25 = tpu.memref_squeeze %dma_start3A_24 : memref<1x125x80xi32, #tpu.memory_space<hbm>> -> memref<125x80xi32, #tpu.memory_space<hbm>>
      %dma_start3A_26 = arith.constant 0 : i32
      %dma_start3A_27 = arith.constant 0 : i32
      %dma_start3A_28 = tpu.memref_slice %arg4[%add3A, %dma_start3A_26, %dma_start3A_27] : memref<32x125x80xi32, #tpu.memory_space<hbm>> -> memref<1x125x80xi32, #tpu.memory_space<hbm>>
      %dma_start3A_29 = tpu.memref_squeeze %dma_start3A_28 : memref<1x125x80xi32, #tpu.memory_space<hbm>> -> memref<125x80xi32, #tpu.memory_space<hbm>>
      tpu.enqueue_dma source(%dma_start3A_29 : memref<125x80xi32, #tpu.memory_space<hbm>>) target(%arg9 : memref<125x80xi32, #tpu.memory_space<vmem>>) target_semaphore(%run_scoped3A : memref<!tpu.dma_semaphore, #tpu.memory_space<semaphore_mem>>)
      %dma_wait3A = arith.constant 0 : i32
      %dma_wait3A_30 = arith.constant 0 : i32
      %dma_wait3A_31 = tpu.memref_slice %arg4[%add3A, %dma_wait3A, %dma_wait3A_30] : memref<32x125x80xi32, #tpu.memory_space<hbm>> -> memref<1x125x80xi32, #tpu.memory_space<hbm>>
      %dma_wait3A_32 = tpu.memref_squeeze %dma_wait3A_31 : memref<1x125x80xi32, #tpu.memory_space<hbm>> -> memref<125x80xi32, #tpu.memory_space<hbm>>
      %dma_wait3A_33 = arith.constant 0 : i32
      %dma_wait3A_34 = arith.constant 0 : i32
      %dma_wait3A_35 = tpu.memref_slice %arg4[%add3A, %dma_wait3A_33, %dma_wait3A_34] : memref<32x125x80xi32, #tpu.memory_space<hbm>> -> memref<1x125x80xi32, #tpu.memory_space<hbm>>
      %dma_wait3A_36 = tpu.memref_squeeze %dma_wait3A_35 : memref<1x125x80xi32, #tpu.memory_space<hbm>> -> memref<125x80xi32, #tpu.memory_space<hbm>>
      tpu.wait_dma2 semaphore(%run_scoped3A : memref<!tpu.dma_semaphore, #tpu.memory_space<semaphore_mem>>) src(%dma_wait3A_36 : memref<125x80xi32, #tpu.memory_space<hbm>>) dst(%arg9 : memref<125x80xi32, #tpu.memory_space<vmem>>)
      tpu.yield
    }) : () -> ()
    %scan3A = arith.constant 0 : i32
    %scan3A_7 = arith.constant 0 : i32
    %scan3A_8 = arith.constant 125 : i32
    %scan3A_9 = arith.addi %scan3A_7, %scan3A_8 : i32
    %scan3A_10 = arith.constant 1 : i32
    scf.for %scan3A_23 = %scan3A_7 to %scan3A_9 step %scan3A_10  : i32 {
      %dma_start3A = arith.constant 0 : i32
      %dma_start3A_24 = tpu.memref_slice %arg8[%scan3A_23, %dma_start3A] : memref<125x80xi32, #tpu.memory_space<vmem>> -> memref<1x80xi32, #tpu.memory_space<vmem>>
      %dma_start3A_25 = tpu.memref_squeeze %dma_start3A_24 : memref<1x80xi32, #tpu.memory_space<vmem>> -> memref<80xi32, #tpu.memory_space<vmem>>
      %dma_start3A_26 = arith.constant 0 : i32
      %dma_start3A_27 = arith.constant 0 : i32
      %dma_start3A_28 = tpu.memref_slice %arg2[%dma_start3A_26, %dma_start3A_27] : memref<10000x128xf32, #tpu.memory_space<hbm>> -> memref<10000x128xf32, #tpu.memory_space<hbm>>
      tpu.enqueue_indirect_dma source(%dma_start3A_28 : memref<10000x128xf32, #tpu.memory_space<hbm>>) target(%arg10 : memref<80x128xf32, #tpu.memory_space<vmem>>) offsets(%dma_start3A_25 : memref<80xi32, #tpu.memory_space<vmem>>) semaphore(%arg11 : memref<!tpu.dma_semaphore, #tpu.memory_space<semaphore_mem>>)
      %dma_wait3A = arith.constant 0 : i32
      %dma_wait3A_29 = tpu.memref_slice %arg8[%scan3A_23, %dma_wait3A] : memref<125x80xi32, #tpu.memory_space<vmem>> -> memref<1x80xi32, #tpu.memory_space<vmem>>
      %dma_wait3A_30 = tpu.memref_squeeze %dma_wait3A_29 : memref<1x80xi32, #tpu.memory_space<vmem>> -> memref<80xi32, #tpu.memory_space<vmem>>
      %dma_wait3A_31 = arith.constant 0 : i32
      %dma_wait3A_32 = arith.constant 0 : i32
      %dma_wait3A_33 = tpu.memref_slice %arg2[%dma_wait3A_31, %dma_wait3A_32] : memref<10000x128xf32, #tpu.memory_space<hbm>> -> memref<10000x128xf32, #tpu.memory_space<hbm>>
      tpu.wait_indirect_dma semaphore(%arg11 : memref<!tpu.dma_semaphore, #tpu.memory_space<semaphore_mem>>) src(%dma_wait3A_33 : memref<10000x128xf32, #tpu.memory_space<hbm>>) dst(%arg10 : memref<80x128xf32, #tpu.memory_space<vmem>>)
      "tpu.region"() ({
        %run_scoped3A = tpu.sem_alloc : memref<!tpu.dma_semaphore, #tpu.memory_space<semaphore_mem>>
        %dma_start3A_34 = arith.constant 0 : i32
        %dma_start3A_35 = tpu.memref_slice %arg9[%scan3A_23, %dma_start3A_34] : memref<125x80xi32, #tpu.memory_space<vmem>> -> memref<1x80xi32, #tpu.memory_space<vmem>>
        %dma_start3A_36 = tpu.memref_squeeze %dma_start3A_35 : memref<1x80xi32, #tpu.memory_space<vmem>> -> memref<80xi32, #tpu.memory_space<vmem>>
        %dma_start3A_37 = arith.constant 0 : i32
        %dma_start3A_38 = arith.constant 0 : i32
        %dma_start3A_39 = tpu.memref_slice %arg7[%dma_start3A_37, %dma_start3A_38] : memref<10000x128xf32, #tpu.memory_space<vmem_shared>> -> memref<10000x128xf32, #tpu.memory_space<vmem_shared>>
        tpu.enqueue_indirect_dma source(%arg10 : memref<80x128xf32, #tpu.memory_space<vmem>>) target(%dma_start3A_39 : memref<10000x128xf32, #tpu.memory_space<vmem_shared>>) offsets(%dma_start3A_36 : memref<80xi32, #tpu.memory_space<vmem>>) semaphore(%run_scoped3A : memref<!tpu.dma_semaphore, #tpu.memory_space<semaphore_mem>>) {add = true}
        %dma_wait3A_40 = arith.constant 0 : i32
        %dma_wait3A_41 = tpu.memref_slice %arg9[%scan3A_23, %dma_wait3A_40] : memref<125x80xi32, #tpu.memory_space<vmem>> -> memref<1x80xi32, #tpu.memory_space<vmem>>
        %dma_wait3A_42 = tpu.memref_squeeze %dma_wait3A_41 : memref<1x80xi32, #tpu.memory_space<vmem>> -> memref<80xi32, #tpu.memory_space<vmem>>
        %dma_wait3A_43 = arith.constant 0 : i32
        %dma_wait3A_44 = arith.constant 0 : i32
        %dma_wait3A_45 = tpu.memref_slice %arg7[%dma_wait3A_43, %dma_wait3A_44] : memref<10000x128xf32, #tpu.memory_space<vmem_shared>> -> memref<10000x128xf32, #tpu.memory_space<vmem_shared>>
        tpu.wait_indirect_dma semaphore(%run_scoped3A : memref<!tpu.dma_semaphore, #tpu.memory_space<semaphore_mem>>) src(%arg10 : memref<80x128xf32, #tpu.memory_space<vmem>>) dst(%dma_wait3A_45 : memref<10000x128xf32, #tpu.memory_space<vmem_shared>>)
        tpu.yield
      }) : () -> ()
    }
    %scan3A_11 = arith.constant 125 : i32
    %barrier3A_12 = arith.constant 0 : index
    tpu.barrier barrier_id(%barrier3A_12)
    %lt3A_13 = arith.constant 15 : i32
    %lt3A_14 = arith.cmpi slt, %arg1, %lt3A_13 : i32
    %convert_element_type3A_15 = arith.extui %lt3A_14 : i1 to i32
    %cond3A_16 = arith.constant 0 : i32
    %cond3A_17 = arith.cmpi ne, %convert_element_type3A_15, %cond3A_16 : i32
    scf.if %cond3A_17 {
      %mul3A_23 = arith.constant 624 : i32
      %mul3A_24 = arith.muli %arg1, %mul3A_23 : i32
      %mul3A_25 = arith.constant 624 : i32
      %mul3A_26 = arith.muli %arg1, %mul3A_25 : i32
      "tpu.region"() ({
        %run_scoped3A = tpu.sem_alloc : memref<!tpu.dma_semaphore, #tpu.memory_space<semaphore_mem>>
        %dma_start3A = arith.constant 0 : i32
        %dma_start3A_27 = tpu.memref_slice %arg6[%arg0, %mul3A_26, %dma_start3A] : memref<2x10000x128xf32, #tpu.memory_space<hbm>> -> memref<1x624x128xf32, #tpu.memory_space<hbm>>
        %dma_start3A_28 = tpu.memref_squeeze %dma_start3A_27 : memref<1x624x128xf32, #tpu.memory_space<hbm>> -> memref<624x128xf32, #tpu.memory_space<hbm>>
        %dma_start3A_29 = arith.constant 0 : i32
        %dma_start3A_30 = tpu.memref_slice %arg7[%mul3A_24, %dma_start3A_29] : memref<10000x128xf32, #tpu.memory_space<vmem_shared>> -> memref<624x128xf32, #tpu.memory_space<vmem_shared>>
        tpu.enqueue_dma source(%dma_start3A_30 : memref<624x128xf32, #tpu.memory_space<vmem_shared>>) target(%dma_start3A_28 : memref<624x128xf32, #tpu.memory_space<hbm>>) target_semaphore(%run_scoped3A : memref<!tpu.dma_semaphore, #tpu.memory_space<semaphore_mem>>)
        %dma_wait3A = arith.constant 0 : i32
        %dma_wait3A_31 = tpu.memref_slice %arg6[%arg0, %mul3A_26, %dma_wait3A] : memref<2x10000x128xf32, #tpu.memory_space<hbm>> -> memref<1x624x128xf32, #tpu.memory_space<hbm>>
        %dma_wait3A_32 = tpu.memref_squeeze %dma_wait3A_31 : memref<1x624x128xf32, #tpu.memory_space<hbm>> -> memref<624x128xf32, #tpu.memory_space<hbm>>
        %dma_wait3A_33 = arith.constant 0 : i32
        %dma_wait3A_34 = tpu.memref_slice %arg7[%mul3A_24, %dma_wait3A_33] : memref<10000x128xf32, #tpu.memory_space<vmem_shared>> -> memref<624x128xf32, #tpu.memory_space<vmem_shared>>
        tpu.wait_dma2 semaphore(%run_scoped3A : memref<!tpu.dma_semaphore, #tpu.memory_space<semaphore_mem>>) src(%dma_wait3A_34 : memref<624x128xf32, #tpu.memory_space<vmem_shared>>) dst(%dma_wait3A_32 : memref<624x128xf32, #tpu.memory_space<hbm>>)
        tpu.yield
      }) : () -> ()
    } else {
    }
    %eq3A_18 = arith.constant 15 : i32
    %eq3A_19 = arith.cmpi eq, %arg1, %eq3A_18 : i32
    %convert_element_type3A_20 = arith.extui %eq3A_19 : i1 to i32
    %cond3A_21 = arith.constant 0 : i32
    %cond3A_22 = arith.cmpi ne, %convert_element_type3A_20, %cond3A_21 : i32
    scf.if %cond3A_22 {
      "tpu.region"() ({
        %run_scoped3A = tpu.sem_alloc : memref<!tpu.dma_semaphore, #tpu.memory_space<semaphore_mem>>
        %dma_start3A = arith.constant 9360 : i32
        %dma_start3A_23 = arith.constant 0 : i32
        %dma_start3A_24 = tpu.memref_slice %arg6[%arg0, %dma_start3A, %dma_start3A_23] : memref<2x10000x128xf32, #tpu.memory_space<hbm>> -> memref<1x640x128xf32, #tpu.memory_space<hbm>>
        %dma_start3A_25 = tpu.memref_squeeze %dma_start3A_24 : memref<1x640x128xf32, #tpu.memory_space<hbm>> -> memref<640x128xf32, #tpu.memory_space<hbm>>
        %dma_start3A_26 = arith.constant 9360 : i32
        %dma_start3A_27 = arith.constant 0 : i32
        %dma_start3A_28 = tpu.memref_slice %arg7[%dma_start3A_26, %dma_start3A_27] : memref<10000x128xf32, #tpu.memory_space<vmem_shared>> -> memref<640x128xf32, #tpu.memory_space<vmem_shared>>
        tpu.enqueue_dma source(%dma_start3A_28 : memref<640x128xf32, #tpu.memory_space<vmem_shared>>) target(%dma_start3A_25 : memref<640x128xf32, #tpu.memory_space<hbm>>) target_semaphore(%run_scoped3A : memref<!tpu.dma_semaphore, #tpu.memory_space<semaphore_mem>>)
        %dma_wait3A = arith.constant 9360 : i32
        %dma_wait3A_29 = arith.constant 0 : i32
        %dma_wait3A_30 = tpu.memref_slice %arg6[%arg0, %dma_wait3A, %dma_wait3A_29] : memref<2x10000x128xf32, #tpu.memory_space<hbm>> -> memref<1x640x128xf32, #tpu.memory_space<hbm>>
        %dma_wait3A_31 = tpu.memref_squeeze %dma_wait3A_30 : memref<1x640x128xf32, #tpu.memory_space<hbm>> -> memref<640x128xf32, #tpu.memory_space<hbm>>
        %dma_wait3A_32 = arith.constant 9360 : i32
        %dma_wait3A_33 = arith.constant 0 : i32
        %dma_wait3A_34 = tpu.memref_slice %arg7[%dma_wait3A_32, %dma_wait3A_33] : memref<10000x128xf32, #tpu.memory_space<vmem_shared>> -> memref<640x128xf32, #tpu.memory_space<vmem_shared>>
        tpu.wait_dma2 semaphore(%run_scoped3A : memref<!tpu.dma_semaphore, #tpu.memory_space<semaphore_mem>>) src(%dma_wait3A_34 : memref<640x128xf32, #tpu.memory_space<vmem_shared>>) dst(%dma_wait3A_31 : memref<640x128xf32, #tpu.memory_space<hbm>>)
        tpu.yield
      }) : () -> ()
    } else {
    }
    return
  }
}

#map = affine_map<(d0, d1) -> (0, 0)>
#map1 = affine_map<(d0, d1) -> (0, 0, 0)>
module attributes {stable_mosaic.version = 14 : i64} {
  func.func @_sc_scatter_body(%arg0: i32, %arg1: i32, %arg2: memref<10000x128xf32, #tpu.memory_space<hbm>>, %arg3: memref<32x125x80xi32, #tpu.memory_space<hbm>>, %arg4: memref<32x125x80xi32, #tpu.memory_space<hbm>>, %arg5: memref<10000x128xf32, #tpu.memory_space<hbm>>, %arg6: memref<2x10000x128xf32, #tpu.memory_space<hbm>>, %arg7: memref<10000x128xf32, #tpu.memory_space<vmem_shared>>, %arg8: memref<125x80xi32, #tpu.memory_space<vmem>>, %arg9: memref<125x80xi32, #tpu.memory_space<vmem>>, %arg10: memref<80x128xf32, #tpu.memory_space<vmem>>, %arg11: memref<!tpu.dma_semaphore, #tpu.memory_space<semaphore_mem>>) attributes {dimension_semantics = [#tpu.dimension_semantics<core_parallel>, #tpu.dimension_semantics<subcore_parallel>], iteration_bounds = array<i64: 2, 16>, scalar_prefetch = 0 : i64, scratch_operands = 5 : i64, tpu.core_type = #tpu.core_type<sc_vector_subcore>, window_params = [{transform_indices = #map}, {transform_indices = #map1}, {transform_indices = #map1}, {transform_indices = #map}, {transform_indices = #map1}]} {
    %mul3A = arith.constant 2 : i32
    %mul3A_0 = arith.muli %arg1, %mul3A : i32
    %add3A = arith.addi %mul3A_0, %arg0 : i32
    %lt3A = arith.constant 15 : i32
    %lt3A_1 = arith.cmpi slt, %arg1, %lt3A : i32
    %convert_element_type3A = arith.extui %lt3A_1 : i1 to i32
    %cond3A = arith.constant 0 : i32
    %cond3A_2 = arith.cmpi ne, %convert_element_type3A, %cond3A : i32
    scf.if %cond3A_2 {
      %mul3A_23 = arith.constant 624 : i32
      %mul3A_24 = arith.muli %arg1, %mul3A_23 : i32
      %mul3A_25 = arith.constant 624 : i32
      %mul3A_26 = arith.muli %arg1, %mul3A_25 : i32
      "tpu.region"() ({
        %run_scoped3A = tpu.sem_alloc : memref<!tpu.dma_semaphore, #tpu.memory_space<semaphore_mem>>
        %dma_start3A = arith.constant 0 : i32
        %dma_start3A_27 = tpu.memref_slice %arg7[%mul3A_26, %dma_start3A] : memref<10000x128xf32, #tpu.memory_space<vmem_shared>> -> memref<624x128xf32, #tpu.memory_space<vmem_shared>>
        %dma_start3A_28 = arith.constant 0 : i32
        %dma_start3A_29 = tpu.memref_slice %arg5[%mul3A_24, %dma_start3A_28] : memref<10000x128xf32, #tpu.memory_space<hbm>> -> memref<624x128xf32, #tpu.memory_space<hbm>>
        tpu.enqueue_dma source(%dma_start3A_29 : memref<624x128xf32, #tpu.memory_space<hbm>>) target(%dma_start3A_27 : memref<624x128xf32, #tpu.memory_space<vmem_shared>>) target_semaphore(%run_scoped3A : memref<!tpu.dma_semaphore, #tpu.memory_space<semaphore_mem>>)
        %dma_wait3A = arith.constant 0 : i32
        %dma_wait3A_30 = tpu.memref_slice %arg7[%mul3A_26, %dma_wait3A] : memref<10000x128xf32, #tpu.memory_space<vmem_shared>> -> memref<624x128xf32, #tpu.memory_space<vmem_shared>>
        %dma_wait3A_31 = arith.constant 0 : i32
        %dma_wait3A_32 = tpu.memref_slice %arg5[%mul3A_24, %dma_wait3A_31] : memref<10000x128xf32, #tpu.memory_space<hbm>> -> memref<624x128xf32, #tpu.memory_space<hbm>>
        tpu.wait_dma2 semaphore(%run_scoped3A : memref<!tpu.dma_semaphore, #tpu.memory_space<semaphore_mem>>) src(%dma_wait3A_32 : memref<624x128xf32, #tpu.memory_space<hbm>>) dst(%dma_wait3A_30 : memref<624x128xf32, #tpu.memory_space<vmem_shared>>)
        tpu.yield
      }) : () -> ()
    } else {
    }
    %eq3A = arith.constant 15 : i32
    %eq3A_3 = arith.cmpi eq, %arg1, %eq3A : i32
    %convert_element_type3A_4 = arith.extui %eq3A_3 : i1 to i32
    %cond3A_5 = arith.constant 0 : i32
    %cond3A_6 = arith.cmpi ne, %convert_element_type3A_4, %cond3A_5 : i32
    scf.if %cond3A_6 {
      "tpu.region"() ({
        %run_scoped3A = tpu.sem_alloc : memref<!tpu.dma_semaphore, #tpu.memory_space<semaphore_mem>>
        %dma_start3A = arith.constant 9360 : i32
        %dma_start3A_23 = arith.constant 0 : i32
        %dma_start3A_24 = tpu.memref_slice %arg7[%dma_start3A, %dma_start3A_23] : memref<10000x128xf32, #tpu.memory_space<vmem_shared>> -> memref<640x128xf32, #tpu.memory_space<vmem_shared>>
        %dma_start3A_25 = arith.constant 9360 : i32
        %dma_start3A_26 = arith.constant 0 : i32
        %dma_start3A_27 = tpu.memref_slice %arg5[%dma_start3A_25, %dma_start3A_26] : memref<10000x128xf32, #tpu.memory_space<hbm>> -> memref<640x128xf32, #tpu.memory_space<hbm>>
        tpu.enqueue_dma source(%dma_start3A_27 : memref<640x128xf32, #tpu.memory_space<hbm>>) target(%dma_start3A_24 : memref<640x128xf32, #tpu.memory_space<vmem_shared>>) target_semaphore(%run_scoped3A : memref<!tpu.dma_semaphore, #tpu.memory_space<semaphore_mem>>)
        %dma_wait3A = arith.constant 9360 : i32
        %dma_wait3A_28 = arith.constant 0 : i32
        %dma_wait3A_29 = tpu.memref_slice %arg7[%dma_wait3A, %dma_wait3A_28] : memref<10000x128xf32, #tpu.memory_space<vmem_shared>> -> memref<640x128xf32, #tpu.memory_space<vmem_shared>>
        %dma_wait3A_30 = arith.constant 9360 : i32
        %dma_wait3A_31 = arith.constant 0 : i32
        %dma_wait3A_32 = tpu.memref_slice %arg5[%dma_wait3A_30, %dma_wait3A_31] : memref<10000x128xf32, #tpu.memory_space<hbm>> -> memref<640x128xf32, #tpu.memory_space<hbm>>
        tpu.wait_dma2 semaphore(%run_scoped3A : memref<!tpu.dma_semaphore, #tpu.memory_space<semaphore_mem>>) src(%dma_wait3A_32 : memref<640x128xf32, #tpu.memory_space<hbm>>) dst(%dma_wait3A_29 : memref<640x128xf32, #tpu.memory_space<vmem_shared>>)
        tpu.yield
      }) : () -> ()
    } else {
    }
    %barrier3A = arith.constant 0 : index
    tpu.barrier barrier_id(%barrier3A)
    "tpu.region"() ({
      %run_scoped3A = tpu.sem_alloc : memref<!tpu.dma_semaphore, #tpu.memory_space<semaphore_mem>>
      %dma_start3A = arith.constant 0 : i32
      %dma_start3A_23 = arith.constant 0 : i32
      %dma_start3A_24 = tpu.memref_slice %arg3[%add3A, %dma_start3A, %dma_start3A_23] : memref<32x125x80xi32, #tpu.memory_space<hbm>> -> memref<1x125x80xi32, #tpu.memory_space<hbm>>
      %dma_start3A_25 = tpu.memref_squeeze %dma_start3A_24 : memref<1x125x80xi32, #tpu.memory_space<hbm>> -> memref<125x80xi32, #tpu.memory_space<hbm>>
      %dma_start3A_26 = arith.constant 0 : i32
      %dma_start3A_27 = arith.constant 0 : i32
      %dma_start3A_28 = tpu.memref_slice %arg3[%add3A, %dma_start3A_26, %dma_start3A_27] : memref<32x125x80xi32, #tpu.memory_space<hbm>> -> memref<1x125x80xi32, #tpu.memory_space<hbm>>
      %dma_start3A_29 = tpu.memref_squeeze %dma_start3A_28 : memref<1x125x80xi32, #tpu.memory_space<hbm>> -> memref<125x80xi32, #tpu.memory_space<hbm>>
      tpu.enqueue_dma source(%dma_start3A_29 : memref<125x80xi32, #tpu.memory_space<hbm>>) target(%arg8 : memref<125x80xi32, #tpu.memory_space<vmem>>) target_semaphore(%run_scoped3A : memref<!tpu.dma_semaphore, #tpu.memory_space<semaphore_mem>>)
      %dma_wait3A = arith.constant 0 : i32
      %dma_wait3A_30 = arith.constant 0 : i32
      %dma_wait3A_31 = tpu.memref_slice %arg3[%add3A, %dma_wait3A, %dma_wait3A_30] : memref<32x125x80xi32, #tpu.memory_space<hbm>> -> memref<1x125x80xi32, #tpu.memory_space<hbm>>
      %dma_wait3A_32 = tpu.memref_squeeze %dma_wait3A_31 : memref<1x125x80xi32, #tpu.memory_space<hbm>> -> memref<125x80xi32, #tpu.memory_space<hbm>>
      %dma_wait3A_33 = arith.constant 0 : i32
      %dma_wait3A_34 = arith.constant 0 : i32
      %dma_wait3A_35 = tpu.memref_slice %arg3[%add3A, %dma_wait3A_33, %dma_wait3A_34] : memref<32x125x80xi32, #tpu.memory_space<hbm>> -> memref<1x125x80xi32, #tpu.memory_space<hbm>>
      %dma_wait3A_36 = tpu.memref_squeeze %dma_wait3A_35 : memref<1x125x80xi32, #tpu.memory_space<hbm>> -> memref<125x80xi32, #tpu.memory_space<hbm>>
      tpu.wait_dma2 semaphore(%run_scoped3A : memref<!tpu.dma_semaphore, #tpu.memory_space<semaphore_mem>>) src(%dma_wait3A_36 : memref<125x80xi32, #tpu.memory_space<hbm>>) dst(%arg8 : memref<125x80xi32, #tpu.memory_space<vmem>>)
      tpu.yield
    }) : () -> ()
    "tpu.region"() ({
      %run_scoped3A = tpu.sem_alloc : memref<!tpu.dma_semaphore, #tpu.memory_space<semaphore_mem>>
      %dma_start3A = arith.constant 0 : i32
      %dma_start3A_23 = arith.constant 0 : i32
      %dma_start3A_24 = tpu.memref_slice %arg4[%add3A, %dma_start3A, %dma_start3A_23] : memref<32x125x80xi32, #tpu.memory_space<hbm>> -> memref<1x125x80xi32, #tpu.memory_space<hbm>>
      %dma_start3A_25 = tpu.memref_squeeze %dma_start3A_24 : memref<1x125x80xi32, #tpu.memory_space<hbm>> -> memref<125x80xi32, #tpu.memory_space<hbm>>
      %dma_start3A_26 = arith.constant 0 : i32
      %dma_start3A_27 = arith.constant 0 : i32
      %dma_start3A_28 = tpu.memref_slice %arg4[%add3A, %dma_start3A_26, %dma_start3A_27] : memref<32x125x80xi32, #tpu.memory_space<hbm>> -> memref<1x125x80xi32, #tpu.memory_space<hbm>>
      %dma_start3A_29 = tpu.memref_squeeze %dma_start3A_28 : memref<1x125x80xi32, #tpu.memory_space<hbm>> -> memref<125x80xi32, #tpu.memory_space<hbm>>
      tpu.enqueue_dma source(%dma_start3A_29 : memref<125x80xi32, #tpu.memory_space<hbm>>) target(%arg9 : memref<125x80xi32, #tpu.memory_space<vmem>>) target_semaphore(%run_scoped3A : memref<!tpu.dma_semaphore, #tpu.memory_space<semaphore_mem>>)
      %dma_wait3A = arith.constant 0 : i32
      %dma_wait3A_30 = arith.constant 0 : i32
      %dma_wait3A_31 = tpu.memref_slice %arg4[%add3A, %dma_wait3A, %dma_wait3A_30] : memref<32x125x80xi32, #tpu.memory_space<hbm>> -> memref<1x125x80xi32, #tpu.memory_space<hbm>>
      %dma_wait3A_32 = tpu.memref_squeeze %dma_wait3A_31 : memref<1x125x80xi32, #tpu.memory_space<hbm>> -> memref<125x80xi32, #tpu.memory_space<hbm>>
      %dma_wait3A_33 = arith.constant 0 : i32
      %dma_wait3A_34 = arith.constant 0 : i32
      %dma_wait3A_35 = tpu.memref_slice %arg4[%add3A, %dma_wait3A_33, %dma_wait3A_34] : memref<32x125x80xi32, #tpu.memory_space<hbm>> -> memref<1x125x80xi32, #tpu.memory_space<hbm>>
      %dma_wait3A_36 = tpu.memref_squeeze %dma_wait3A_35 : memref<1x125x80xi32, #tpu.memory_space<hbm>> -> memref<125x80xi32, #tpu.memory_space<hbm>>
      tpu.wait_dma2 semaphore(%run_scoped3A : memref<!tpu.dma_semaphore, #tpu.memory_space<semaphore_mem>>) src(%dma_wait3A_36 : memref<125x80xi32, #tpu.memory_space<hbm>>) dst(%arg9 : memref<125x80xi32, #tpu.memory_space<vmem>>)
      tpu.yield
    }) : () -> ()
    %scan3A = arith.constant 0 : i32
    %scan3A_7 = arith.constant 0 : i32
    %scan3A_8 = arith.constant 125 : i32
    %scan3A_9 = arith.addi %scan3A_7, %scan3A_8 : i32
    %scan3A_10 = arith.constant 1 : i32
    scf.for %scan3A_23 = %scan3A_7 to %scan3A_9 step %scan3A_10  : i32 {
      %dma_start3A = arith.constant 0 : i32
      %dma_start3A_24 = tpu.memref_slice %arg8[%scan3A_23, %dma_start3A] : memref<125x80xi32, #tpu.memory_space<vmem>> -> memref<1x80xi32, #tpu.memory_space<vmem>>
      %dma_start3A_25 = tpu.memref_squeeze %dma_start3A_24 : memref<1x80xi32, #tpu.memory_space<vmem>> -> memref<80xi32, #tpu.memory_space<vmem>>
      %dma_start3A_26 = arith.constant 0 : i32
      %dma_start3A_27 = arith.constant 0 : i32
      %dma_start3A_28 = tpu.memref_slice %arg2[%dma_start3A_26, %dma_start3A_27] : memref<10000x128xf32, #tpu.memory_space<hbm>> -> memref<10000x128xf32, #tpu.memory_space<hbm>>
      tpu.enqueue_indirect_dma source(%dma_start3A_28 : memref<10000x128xf32, #tpu.memory_space<hbm>>) target(%arg10 : memref<80x128xf32, #tpu.memory_space<vmem>>) offsets(%dma_start3A_25 : memref<80xi32, #tpu.memory_space<vmem>>) semaphore(%arg11 : memref<!tpu.dma_semaphore, #tpu.memory_space<semaphore_mem>>)
      %dma_wait3A = arith.constant 0 : i32
      %dma_wait3A_29 = tpu.memref_slice %arg8[%scan3A_23, %dma_wait3A] : memref<125x80xi32, #tpu.memory_space<vmem>> -> memref<1x80xi32, #tpu.memory_space<vmem>>
      %dma_wait3A_30 = tpu.memref_squeeze %dma_wait3A_29 : memref<1x80xi32, #tpu.memory_space<vmem>> -> memref<80xi32, #tpu.memory_space<vmem>>
      %dma_wait3A_31 = arith.constant 0 : i32
      %dma_wait3A_32 = arith.constant 0 : i32
      %dma_wait3A_33 = tpu.memref_slice %arg2[%dma_wait3A_31, %dma_wait3A_32] : memref<10000x128xf32, #tpu.memory_space<hbm>> -> memref<10000x128xf32, #tpu.memory_space<hbm>>
      tpu.wait_indirect_dma semaphore(%arg11 : memref<!tpu.dma_semaphore, #tpu.memory_space<semaphore_mem>>) src(%dma_wait3A_33 : memref<10000x128xf32, #tpu.memory_space<hbm>>) dst(%arg10 : memref<80x128xf32, #tpu.memory_space<vmem>>)
      "tpu.region"() ({
        %run_scoped3A = tpu.sem_alloc : memref<!tpu.dma_semaphore, #tpu.memory_space<semaphore_mem>>
        %dma_start3A_34 = arith.constant 0 : i32
        %dma_start3A_35 = tpu.memref_slice %arg9[%scan3A_23, %dma_start3A_34] : memref<125x80xi32, #tpu.memory_space<vmem>> -> memref<1x80xi32, #tpu.memory_space<vmem>>
        %dma_start3A_36 = tpu.memref_squeeze %dma_start3A_35 : memref<1x80xi32, #tpu.memory_space<vmem>> -> memref<80xi32, #tpu.memory_space<vmem>>
        %dma_start3A_37 = arith.constant 0 : i32
        %dma_start3A_38 = arith.constant 0 : i32
        %dma_start3A_39 = tpu.memref_slice %arg7[%dma_start3A_37, %dma_start3A_38] : memref<10000x128xf32, #tpu.memory_space<vmem_shared>> -> memref<10000x128xf32, #tpu.memory_space<vmem_shared>>
        tpu.enqueue_indirect_dma source(%arg10 : memref<80x128xf32, #tpu.memory_space<vmem>>) target(%dma_start3A_39 : memref<10000x128xf32, #tpu.memory_space<vmem_shared>>) offsets(%dma_start3A_36 : memref<80xi32, #tpu.memory_space<vmem>>) semaphore(%run_scoped3A : memref<!tpu.dma_semaphore, #tpu.memory_space<semaphore_mem>>) {add = true}
        %dma_wait3A_40 = arith.constant 0 : i32
        %dma_wait3A_41 = tpu.memref_slice %arg9[%scan3A_23, %dma_wait3A_40] : memref<125x80xi32, #tpu.memory_space<vmem>> -> memref<1x80xi32, #tpu.memory_space<vmem>>
        %dma_wait3A_42 = tpu.memref_squeeze %dma_wait3A_41 : memref<1x80xi32, #tpu.memory_space<vmem>> -> memref<80xi32, #tpu.memory_space<vmem>>
        %dma_wait3A_43 = arith.constant 0 : i32
        %dma_wait3A_44 = arith.constant 0 : i32
        %dma_wait3A_45 = tpu.memref_slice %arg7[%dma_wait3A_43, %dma_wait3A_44] : memref<10000x128xf32, #tpu.memory_space<vmem_shared>> -> memref<10000x128xf32, #tpu.memory_space<vmem_shared>>
        tpu.wait_indirect_dma semaphore(%run_scoped3A : memref<!tpu.dma_semaphore, #tpu.memory_space<semaphore_mem>>) src(%arg10 : memref<80x128xf32, #tpu.memory_space<vmem>>) dst(%dma_wait3A_45 : memref<10000x128xf32, #tpu.memory_space<vmem_shared>>)
        tpu.yield
      }) : () -> ()
    }
    %scan3A_11 = arith.constant 125 : i32
    %barrier3A_12 = arith.constant 0 : index
    tpu.barrier barrier_id(%barrier3A_12)
    %lt3A_13 = arith.constant 15 : i32
    %lt3A_14 = arith.cmpi slt, %arg1, %lt3A_13 : i32
    %convert_element_type3A_15 = arith.extui %lt3A_14 : i1 to i32
    %cond3A_16 = arith.constant 0 : i32
    %cond3A_17 = arith.cmpi ne, %convert_element_type3A_15, %cond3A_16 : i32
    scf.if %cond3A_17 {
      %mul3A_23 = arith.constant 624 : i32
      %mul3A_24 = arith.muli %arg1, %mul3A_23 : i32
      %mul3A_25 = arith.constant 624 : i32
      %mul3A_26 = arith.muli %arg1, %mul3A_25 : i32
      "tpu.region"() ({
        %run_scoped3A = tpu.sem_alloc : memref<!tpu.dma_semaphore, #tpu.memory_space<semaphore_mem>>
        %dma_start3A = arith.constant 0 : i32
        %dma_start3A_27 = tpu.memref_slice %arg6[%arg0, %mul3A_26, %dma_start3A] : memref<2x10000x128xf32, #tpu.memory_space<hbm>> -> memref<1x624x128xf32, #tpu.memory_space<hbm>>
        %dma_start3A_28 = tpu.memref_squeeze %dma_start3A_27 : memref<1x624x128xf32, #tpu.memory_space<hbm>> -> memref<624x128xf32, #tpu.memory_space<hbm>>
        %dma_start3A_29 = arith.constant 0 : i32
        %dma_start3A_30 = tpu.memref_slice %arg7[%mul3A_24, %dma_start3A_29] : memref<10000x128xf32, #tpu.memory_space<vmem_shared>> -> memref<624x128xf32, #tpu.memory_space<vmem_shared>>
        tpu.enqueue_dma source(%dma_start3A_30 : memref<624x128xf32, #tpu.memory_space<vmem_shared>>) target(%dma_start3A_28 : memref<624x128xf32, #tpu.memory_space<hbm>>) target_semaphore(%run_scoped3A : memref<!tpu.dma_semaphore, #tpu.memory_space<semaphore_mem>>)
        %dma_wait3A = arith.constant 0 : i32
        %dma_wait3A_31 = tpu.memref_slice %arg6[%arg0, %mul3A_26, %dma_wait3A] : memref<2x10000x128xf32, #tpu.memory_space<hbm>> -> memref<1x624x128xf32, #tpu.memory_space<hbm>>
        %dma_wait3A_32 = tpu.memref_squeeze %dma_wait3A_31 : memref<1x624x128xf32, #tpu.memory_space<hbm>> -> memref<624x128xf32, #tpu.memory_space<hbm>>
        %dma_wait3A_33 = arith.constant 0 : i32
        %dma_wait3A_34 = tpu.memref_slice %arg7[%mul3A_24, %dma_wait3A_33] : memref<10000x128xf32, #tpu.memory_space<vmem_shared>> -> memref<624x128xf32, #tpu.memory_space<vmem_shared>>
        tpu.wait_dma2 semaphore(%run_scoped3A : memref<!tpu.dma_semaphore, #tpu.memory_space<semaphore_mem>>) src(%dma_wait3A_34 : memref<624x128xf32, #tpu.memory_space<vmem_shared>>) dst(%dma_wait3A_32 : memref<624x128xf32, #tpu.memory_space<hbm>>)
        tpu.yield
      }) : () -> ()
    } else {
    }
    %eq3A_18 = arith.constant 15 : i32
    %eq3A_19 = arith.cmpi eq, %arg1, %eq3A_18 : i32
    %convert_element_type3A_20 = arith.extui %eq3A_19 : i1 to i32
    %cond3A_21 = arith.constant 0 : i32
    %cond3A_22 = arith.cmpi ne, %convert_element_type3A_20, %cond3A_21 : i32
    scf.if %cond3A_22 {
      "tpu.region"() ({
        %run_scoped3A = tpu.sem_alloc : memref<!tpu.dma_semaphore, #tpu.memory_space<semaphore_mem>>
        %dma_start3A = arith.constant 9360 : i32
        %dma_start3A_23 = arith.constant 0 : i32
        %dma_start3A_24 = tpu.memref_slice %arg6[%arg0, %dma_start3A, %dma_start3A_23] : memref<2x10000x128xf32, #tpu.memory_space<hbm>> -> memref<1x640x128xf32, #tpu.memory_space<hbm>>
        %dma_start3A_25 = tpu.memref_squeeze %dma_start3A_24 : memref<1x640x128xf32, #tpu.memory_space<hbm>> -> memref<640x128xf32, #tpu.memory_space<hbm>>
        %dma_start3A_26 = arith.constant 9360 : i32
        %dma_start3A_27 = arith.constant 0 : i32
        %dma_start3A_28 = tpu.memref_slice %arg7[%dma_start3A_26, %dma_start3A_27] : memref<10000x128xf32, #tpu.memory_space<vmem_shared>> -> memref<640x128xf32, #tpu.memory_space<vmem_shared>>
        tpu.enqueue_dma source(%dma_start3A_28 : memref<640x128xf32, #tpu.memory_space<vmem_shared>>) target(%dma_start3A_25 : memref<640x128xf32, #tpu.memory_space<hbm>>) target_semaphore(%run_scoped3A : memref<!tpu.dma_semaphore, #tpu.memory_space<semaphore_mem>>)
        %dma_wait3A = arith.constant 9360 : i32
        %dma_wait3A_29 = arith.constant 0 : i32
        %dma_wait3A_30 = tpu.memref_slice %arg6[%arg0, %dma_wait3A, %dma_wait3A_29] : memref<2x10000x128xf32, #tpu.memory_space<hbm>> -> memref<1x640x128xf32, #tpu.memory_space<hbm>>
        %dma_wait3A_31 = tpu.memref_squeeze %dma_wait3A_30 : memref<1x640x128xf32, #tpu.memory_space<hbm>> -> memref<640x128xf32, #tpu.memory_space<hbm>>
        %dma_wait3A_32 = arith.constant 9360 : i32
        %dma_wait3A_33 = arith.constant 0 : i32
        %dma_wait3A_34 = tpu.memref_slice %arg7[%dma_wait3A_32, %dma_wait3A_33] : memref<10000x128xf32, #tpu.memory_space<vmem_shared>> -> memref<640x128xf32, #tpu.memory_space<vmem_shared>>
        tpu.wait_dma2 semaphore(%run_scoped3A : memref<!tpu.dma_semaphore, #tpu.memory_space<semaphore_mem>>) src(%dma_wait3A_34 : memref<640x128xf32, #tpu.memory_space<vmem_shared>>) dst(%dma_wait3A_31 : memref<640x128xf32, #tpu.memory_space<hbm>>)
        tpu.yield
      }) : () -> ()
    } else {
    }
    return
  }
}

module attributes {stable_mosaic.version = 14 : i64} {
  func.func @_qkv_body(%arg0: i32, %arg1: memref<10000x128xf32, #tpu.memory_space<vmem>>, %arg2: memref<1x128x96xbf16, #tpu.memory_space<vmem>>, %arg3: memref<1x1x96xf32, #tpu.memory_space<vmem>>, %arg4: memref<1x10000x32xbf16, #tpu.memory_space<vmem>>, %arg5: memref<1x10000x32xbf16, #tpu.memory_space<vmem>>, %arg6: memref<1x10000x33xbf16, #tpu.memory_space<vmem>>) attributes {dimension_semantics = [#tpu.dimension_semantics<arbitrary>], iteration_bounds = array<i64: 4>, scalar_prefetch = 0 : i64, scratch_operands = 0 : i64, tpu.core_type = #tpu.core_type<tc>, window_params = [{pipeline_mode = #tpu.pipeline_mode<synchronous>, transform_indices = @transform_0, window_bounds = array<i64: 10000, 128>}, {transform_indices = @transform_1, window_bounds = array<i64: 1, 128, 96>}, {transform_indices = @transform_2, window_bounds = array<i64: 1, 1, 96>}, {transform_indices = @transform_3, window_bounds = array<i64: 1, 10000, 32>}, {transform_indices = @transform_4, window_bounds = array<i64: 1, 10000, 32>}, {transform_indices = @transform_5, window_bounds = array<i64: 1, 10000, 33>}]} {
    %get3A = arith.constant 0 : index
    %get3A_0 = arith.constant 0 : index
    %get3A_1 = vector.load %arg1[%get3A, %get3A_0] : memref<10000x128xf32, #tpu.memory_space<vmem>>, vector<10000x128xf32>
    %convert_element_type3A = arith.truncf %get3A_1 : vector<10000x128xf32> to vector<10000x128xbf16>
    %get3A_2 = arith.constant 0 : index
    %get3A_3 = arith.constant 0 : index
    %get3A_4 = arith.constant 0 : index
    %get3A_5 = vector.load %arg2[%get3A_2, %get3A_3, %get3A_4] : memref<1x128x96xbf16, #tpu.memory_space<vmem>>, vector<1x128x96xbf16>
    %get3A_6 = vector.shape_cast %get3A_5 : vector<1x128x96xbf16> to vector<128x96xbf16>
    %get3A_7 = arith.constant 0 : index
    %get3A_8 = arith.constant 0 : index
    %get3A_9 = arith.constant 0 : index
    %get3A_10 = vector.load %arg3[%get3A_7, %get3A_8, %get3A_9] : memref<1x1x96xf32, #tpu.memory_space<vmem>>, vector<1x1x96xf32>
    %get3A_11 = vector.shape_cast %get3A_10 : vector<1x1x96xf32> to vector<1x96xf32>
    %dot_general3A = arith.constant dense<0.000000e+00> : vector<10000x96xf32>
    %dot_general3A_12 = tpu.matmul %convert_element_type3A, %get3A_6, %dot_general3A {dimension_numbers = #tpu.dot_dimension_numbers<[1], [0], [0], [1], [0, 0, 1, 1], [], []>, transpose_lhs_hint = false} : vector<10000x128xbf16>, vector<128x96xbf16>, vector<10000x96xf32> -> vector<10000x96xf32>
    %add3A = vector.broadcast %get3A_11 : vector<1x96xf32> to vector<10000x96xf32>
    %add3A_13 = arith.addf %dot_general3A_12, %add3A : vector<10000x96xf32>
    %slice3A = vector.extract_strided_slice %add3A_13 {offsets = [0, 0], sizes = [10000, 32], strides = [1, 1]} : vector<10000x96xf32> to vector<10000x32xf32>
    %mul3A = arith.constant 0.255034864 : f32
    %mul3A_14 = vector.broadcast %mul3A : f32 to vector<10000x32xf32>
    %mul3A_15 = arith.mulf %slice3A, %mul3A_14 : vector<10000x32xf32>
    %convert_element_type3A_16 = arith.truncf %mul3A_15 : vector<10000x32xf32> to vector<10000x32xbf16>
    %swap3A = arith.constant 0 : index
    %swap3A_17 = arith.constant 0 : index
    %swap3A_18 = arith.constant 0 : index
    %swap3A_19 = vector.load %arg4[%swap3A, %swap3A_17, %swap3A_18] : memref<1x10000x32xbf16, #tpu.memory_space<vmem>>, vector<1x10000x32xbf16>
    %swap3A_20 = vector.shape_cast %swap3A_19 : vector<1x10000x32xbf16> to vector<10000x32xbf16>
    %swap3A_21 = vector.shape_cast %convert_element_type3A_16 : vector<10000x32xbf16> to vector<1x10000x32xbf16>
    tpu.vector_store %arg4[%swap3A, %swap3A_17, %swap3A_18], %swap3A_21 {strides = array<i32>} : memref<1x10000x32xbf16, #tpu.memory_space<vmem>>, vector<1x10000x32xbf16>,
    %slice3A_22 = vector.extract_strided_slice %add3A_13 {offsets = [0, 32], sizes = [10000, 32], strides = [1, 1]} : vector<10000x96xf32> to vector<10000x32xf32>
    %convert_element_type3A_23 = arith.truncf %slice3A_22 : vector<10000x32xf32> to vector<10000x32xbf16>
    %swap3A_24 = arith.constant 0 : index
    %swap3A_25 = arith.constant 0 : index
    %swap3A_26 = arith.constant 0 : index
    %swap3A_27 = vector.load %arg5[%swap3A_24, %swap3A_25, %swap3A_26] : memref<1x10000x32xbf16, #tpu.memory_space<vmem>>, vector<1x10000x32xbf16>
    %swap3A_28 = vector.shape_cast %swap3A_27 : vector<1x10000x32xbf16> to vector<10000x32xbf16>
    %swap3A_29 = vector.shape_cast %convert_element_type3A_23 : vector<10000x32xbf16> to vector<1x10000x32xbf16>
    tpu.vector_store %arg5[%swap3A_24, %swap3A_25, %swap3A_26], %swap3A_29 {strides = array<i32>} : memref<1x10000x32xbf16, #tpu.memory_space<vmem>>, vector<1x10000x32xbf16>,
    %slice3A_30 = vector.extract_strided_slice %add3A_13 {offsets = [0, 64], sizes = [10000, 32], strides = [1, 1]} : vector<10000x96xf32> to vector<10000x32xf32>
    %convert_element_type3A_31 = arith.truncf %slice3A_30 : vector<10000x32xf32> to vector<10000x32xbf16>
    %broadcast_in_dim3A = arith.constant 1.000000e+00 : bf16
    %broadcast_in_dim3A_32 = vector.broadcast %broadcast_in_dim3A : bf16 to vector<10000x1xbf16>
    %concatenate3A = tpu.concatenate %convert_element_type3A_31, %broadcast_in_dim3A_32 in 1 : vector<10000x32xbf16>, vector<10000x1xbf16> -> vector<10000x33xbf16>
    %swap3A_33 = arith.constant 0 : index
    %swap3A_34 = arith.constant 0 : index
    %swap3A_35 = arith.constant 0 : index
    %swap3A_36 = vector.load %arg6[%swap3A_33, %swap3A_34, %swap3A_35] : memref<1x10000x33xbf16, #tpu.memory_space<vmem>>, vector<1x10000x33xbf16>
    %swap3A_37 = vector.shape_cast %swap3A_36 : vector<1x10000x33xbf16> to vector<10000x33xbf16>
    %swap3A_38 = vector.shape_cast %concatenate3A : vector<10000x33xbf16> to vector<1x10000x33xbf16>
    tpu.vector_store %arg6[%swap3A_33, %swap3A_34, %swap3A_35], %swap3A_38 {strides = array<i32>} : memref<1x10000x33xbf16, #tpu.memory_space<vmem>>, vector<1x10000x33xbf16>,
    return
  }
  func.func @transform_0(%arg0: i32) -> (i32, i32) {
    %c0_i32 = arith.constant 0 : i32
    %c0_i32_0 = arith.constant 0 : i32
    %c0_i32_1 = arith.constant 0 : i32
    return %c0_i32, %c0_i32_0 : i32, i32
  }
  func.func @transform_1(%arg0: i32) -> (i32, i32, i32) {
    %c0_i32 = arith.constant 0 : i32
    %c0_i32_0 = arith.constant 0 : i32
    %c0_i32_1 = arith.constant 0 : i32
    return %arg0, %c0_i32, %c0_i32_0 : i32, i32, i32
  }
  func.func @transform_2(%arg0: i32) -> (i32, i32, i32) {
    %c0_i32 = arith.constant 0 : i32
    %c0_i32_0 = arith.constant 0 : i32
    %c0_i32_1 = arith.constant 0 : i32
    return %arg0, %c0_i32, %c0_i32_0 : i32, i32, i32
  }
  func.func @transform_3(%arg0: i32) -> (i32, i32, i32) {
    %c0_i32 = arith.constant 0 : i32
    %c0_i32_0 = arith.constant 0 : i32
    %c0_i32_1 = arith.constant 0 : i32
    return %arg0, %c0_i32, %c0_i32_0 : i32, i32, i32
  }
  func.func @transform_4(%arg0: i32) -> (i32, i32, i32) {
    %c0_i32 = arith.constant 0 : i32
    %c0_i32_0 = arith.constant 0 : i32
    %c0_i32_1 = arith.constant 0 : i32
    return %arg0, %c0_i32, %c0_i32_0 : i32, i32, i32
  }
  func.func @transform_5(%arg0: i32) -> (i32, i32, i32) {
    %c0_i32 = arith.constant 0 : i32
    %c0_i32_0 = arith.constant 0 : i32
    %c0_i32_1 = arith.constant 0 : i32
    return %arg0, %c0_i32, %c0_i32_0 : i32, i32, i32
  }
}

module attributes {stable_mosaic.version = 14 : i64} {
  func.func @_flash_body(%arg0: i32, %arg1: i32, %arg2: memref<1x2000x32xbf16, #tpu.memory_space<vmem>>, %arg3: memref<1x10000x32xbf16, #tpu.memory_space<vmem>>, %arg4: memref<1x10000x33xbf16, #tpu.memory_space<vmem>>, %arg5: memref<1x2000x32xf32, #tpu.memory_space<vmem>>) attributes {dimension_semantics = [#tpu.dimension_semantics<arbitrary>, #tpu.dimension_semantics<arbitrary>], iteration_bounds = array<i64: 4, 5>, scalar_prefetch = 0 : i64, scratch_operands = 0 : i64, tpu.core_type = #tpu.core_type<tc>, window_params = [{transform_indices = @transform_0, window_bounds = array<i64: 1, 2000, 32>}, {transform_indices = @transform_1, window_bounds = array<i64: 1, 10000, 32>}, {transform_indices = @transform_2, window_bounds = array<i64: 1, 10000, 33>}, {transform_indices = @transform_3, window_bounds = array<i64: 1, 2000, 32>}]} {
    %get3A = arith.constant 0 : index
    %get3A_0 = arith.constant 0 : index
    %get3A_1 = arith.constant 0 : index
    %get3A_2 = vector.load %arg2[%get3A, %get3A_0, %get3A_1] : memref<1x2000x32xbf16, #tpu.memory_space<vmem>>, vector<1x2000x32xbf16>
    %get3A_3 = vector.shape_cast %get3A_2 : vector<1x2000x32xbf16> to vector<2000x32xbf16>
    %get3A_4 = arith.constant 0 : index
    %get3A_5 = arith.constant 0 : index
    %get3A_6 = arith.constant 0 : index
    %get3A_7 = vector.load %arg3[%get3A_4, %get3A_5, %get3A_6] : memref<1x10000x32xbf16, #tpu.memory_space<vmem>>, vector<1x10000x32xbf16>
    %get3A_8 = vector.shape_cast %get3A_7 : vector<1x10000x32xbf16> to vector<10000x32xbf16>
    %dot_general3A = arith.constant dense<0.000000e+00> : vector<2000x10000xf32>
    %dot_general3A_9 = tpu.matmul %get3A_3, %get3A_8, %dot_general3A {dimension_numbers = #tpu.dot_dimension_numbers<[1], [1], [0], [0], [0, 0, 1, 0], [], []>, transpose_lhs_hint = false} : vector<2000x32xbf16>, vector<10000x32xbf16>, vector<2000x10000xf32> -> vector<2000x10000xf32>
    %min3A = arith.constant 8.700000e+01 : f32
    %min3A_10 = vector.broadcast %min3A : f32 to vector<2000x10000xf32>
    %min3A_11 = arith.minimumf %dot_general3A_9, %min3A_10 : vector<2000x10000xf32>
    %exp23A = math.exp2 %min3A_11 : vector<2000x10000xf32>
    %convert_element_type3A = arith.truncf %exp23A : vector<2000x10000xf32> to vector<2000x10000xbf16>
    %get3A_12 = arith.constant 0 : index
    %get3A_13 = arith.constant 0 : index
    %get3A_14 = arith.constant 0 : index
    %get3A_15 = vector.load %arg4[%get3A_12, %get3A_13, %get3A_14] : memref<1x10000x33xbf16, #tpu.memory_space<vmem>>, vector<1x10000x33xbf16>
    %get3A_16 = vector.shape_cast %get3A_15 : vector<1x10000x33xbf16> to vector<10000x33xbf16>
    %dot_general3A_17 = arith.constant dense<0.000000e+00> : vector<2000x33xf32>
    %dot_general3A_18 = tpu.matmul %convert_element_type3A, %get3A_16, %dot_general3A_17 {dimension_numbers = #tpu.dot_dimension_numbers<[1], [0], [0], [1], [0, 0, 1, 1], [], []>, transpose_lhs_hint = false} : vector<2000x10000xbf16>, vector<10000x33xbf16>, vector<2000x33xf32> -> vector<2000x33xf32>
    %slice3A = vector.extract_strided_slice %dot_general3A_18 {offsets = [0, 0], sizes = [2000, 32], strides = [1, 1]} : vector<2000x33xf32> to vector<2000x32xf32>
    %slice3A_19 = vector.extract_strided_slice %dot_general3A_18 {offsets = [0, 32], sizes = [2000, 1], strides = [1, 1]} : vector<2000x33xf32> to vector<2000x1xf32>
    %div3A = vector.broadcast %slice3A_19 : vector<2000x1xf32> to vector<2000x32xf32>
    %div3A_20 = arith.divf %slice3A, %div3A : vector<2000x32xf32>
    %swap3A = arith.constant 0 : index
    %swap3A_21 = arith.constant 0 : index
    %swap3A_22 = arith.constant 0 : index
    %swap3A_23 = vector.load %arg5[%swap3A, %swap3A_21, %swap3A_22] : memref<1x2000x32xf32, #tpu.memory_space<vmem>>, vector<1x2000x32xf32>
    %swap3A_24 = vector.shape_cast %swap3A_23 : vector<1x2000x32xf32> to vector<2000x32xf32>
    %swap3A_25 = vector.shape_cast %div3A_20 : vector<2000x32xf32> to vector<1x2000x32xf32>
    tpu.vector_store %arg5[%swap3A, %swap3A_21, %swap3A_22], %swap3A_25 {strides = array<i32>} : memref<1x2000x32xf32, #tpu.memory_space<vmem>>, vector<1x2000x32xf32>,
    return
  }
  func.func @transform_0(%arg0: i32, %arg1: i32) -> (i32, i32, i32) {
    %c0_i32 = arith.constant 0 : i32
    %c0_i32_0 = arith.constant 0 : i32
    return %arg0, %arg1, %c0_i32 : i32, i32, i32
  }
  func.func @transform_1(%arg0: i32, %arg1: i32) -> (i32, i32, i32) {
    %c0_i32 = arith.constant 0 : i32
    %c0_i32_0 = arith.constant 0 : i32
    %c0_i32_1 = arith.constant 0 : i32
    return %arg0, %c0_i32, %c0_i32_0 : i32, i32, i32
  }
  func.func @transform_2(%arg0: i32, %arg1: i32) -> (i32, i32, i32) {
    %c0_i32 = arith.constant 0 : i32
    %c0_i32_0 = arith.constant 0 : i32
    %c0_i32_1 = arith.constant 0 : i32
    return %arg0, %c0_i32, %c0_i32_0 : i32, i32, i32
  }
  func.func @transform_3(%arg0: i32, %arg1: i32) -> (i32, i32, i32) {
    %c0_i32 = arith.constant 0 : i32
    %c0_i32_0 = arith.constant 0 : i32
    return %arg0, %arg1, %c0_i32 : i32, i32, i32
  }
}

module attributes {stable_mosaic.version = 14 : i64} {
  func.func @_gin_body(%arg0: memref<10000x128xf32, #tpu.memory_space<vmem>>, %arg1: memref<10000x128xf32, #tpu.memory_space<vmem>>, %arg2: memref<10000x128xf32, #tpu.memory_space<vmem>>, %arg3: memref<128x128xbf16, #tpu.memory_space<vmem>>, %arg4: memref<1x128xf32, #tpu.memory_space<vmem>>, %arg5: memref<128x128xbf16, #tpu.memory_space<vmem>>, %arg6: memref<1x128xf32, #tpu.memory_space<vmem>>, %arg7: memref<1x128xf32, #tpu.memory_space<vmem>>, %arg8: memref<1x128xf32, #tpu.memory_space<vmem>>, %arg9: memref<10000x128xf32, #tpu.memory_space<vmem>>) attributes {dimension_semantics = [], scalar_prefetch = 0 : i64, scratch_operands = 0 : i64, tpu.core_type = #tpu.core_type<tc>} {
    %get3A = arith.constant 0 : index
    %get3A_0 = arith.constant 0 : index
    %get3A_1 = vector.load %arg0[%get3A, %get3A_0] : memref<10000x128xf32, #tpu.memory_space<vmem>>, vector<10000x128xf32>
    %get3A_2 = arith.constant 0 : index
    %get3A_3 = arith.constant 0 : index
    %get3A_4 = vector.load %arg1[%get3A_2, %get3A_3] : memref<10000x128xf32, #tpu.memory_space<vmem>>, vector<10000x128xf32>
    %add3A = arith.addf %get3A_1, %get3A_4 : vector<10000x128xf32>
    %get3A_5 = arith.constant 0 : index
    %get3A_6 = arith.constant 0 : index
    %get3A_7 = vector.load %arg2[%get3A_5, %get3A_6] : memref<10000x128xf32, #tpu.memory_space<vmem>>, vector<10000x128xf32>
    %add3A_8 = arith.addf %add3A, %get3A_7 : vector<10000x128xf32>
    %convert_element_type3A = arith.truncf %add3A_8 : vector<10000x128xf32> to vector<10000x128xbf16>
    %get3A_9 = arith.constant 0 : index
    %get3A_10 = arith.constant 0 : index
    %get3A_11 = vector.load %arg3[%get3A_9, %get3A_10] : memref<128x128xbf16, #tpu.memory_space<vmem>>, vector<128x128xbf16>
    %dot_general3A = arith.constant dense<0.000000e+00> : vector<10000x128xf32>
    %dot_general3A_12 = tpu.matmul %convert_element_type3A, %get3A_11, %dot_general3A {dimension_numbers = #tpu.dot_dimension_numbers<[1], [0], [0], [1], [0, 0, 1, 1], [], []>, transpose_lhs_hint = false} : vector<10000x128xbf16>, vector<128x128xbf16>, vector<10000x128xf32> -> vector<10000x128xf32>
    %get3A_13 = arith.constant 0 : index
    %get3A_14 = arith.constant 0 : index
    %get3A_15 = vector.load %arg4[%get3A_13, %get3A_14] : memref<1x128xf32, #tpu.memory_space<vmem>>, vector<1x128xf32>
    %add3A_16 = vector.broadcast %get3A_15 : vector<1x128xf32> to vector<10000x128xf32>
    %add3A_17 = arith.addf %dot_general3A_12, %add3A_16 : vector<10000x128xf32>
    %max3A = arith.constant 0.000000e+00 : f32
    %max3A_18 = vector.broadcast %max3A : f32 to vector<10000x128xf32>
    %max3A_19 = arith.maximumf %add3A_17, %max3A_18 : vector<10000x128xf32>
    %convert_element_type3A_20 = arith.truncf %max3A_19 : vector<10000x128xf32> to vector<10000x128xbf16>
    %get3A_21 = arith.constant 0 : index
    %get3A_22 = arith.constant 0 : index
    %get3A_23 = vector.load %arg5[%get3A_21, %get3A_22] : memref<128x128xbf16, #tpu.memory_space<vmem>>, vector<128x128xbf16>
    %dot_general3A_24 = arith.constant dense<0.000000e+00> : vector<10000x128xf32>
    %dot_general3A_25 = tpu.matmul %convert_element_type3A_20, %get3A_23, %dot_general3A_24 {dimension_numbers = #tpu.dot_dimension_numbers<[1], [0], [0], [1], [0, 0, 1, 1], [], []>, transpose_lhs_hint = false} : vector<10000x128xbf16>, vector<128x128xbf16>, vector<10000x128xf32> -> vector<10000x128xf32>
    %get3A_26 = arith.constant 0 : index
    %get3A_27 = arith.constant 0 : index
    %get3A_28 = vector.load %arg6[%get3A_26, %get3A_27] : memref<1x128xf32, #tpu.memory_space<vmem>>, vector<1x128xf32>
    %add3A_29 = vector.broadcast %get3A_28 : vector<1x128xf32> to vector<10000x128xf32>
    %add3A_30 = arith.addf %dot_general3A_25, %add3A_29 : vector<10000x128xf32>
    %add3A_31 = arith.addf %add3A_30, %get3A_1 : vector<10000x128xf32>
    %get3A_32 = arith.constant 0 : index
    %get3A_33 = arith.constant 0 : index
    %get3A_34 = vector.load %arg7[%get3A_32, %get3A_33] : memref<1x128xf32, #tpu.memory_space<vmem>>, vector<1x128xf32>
    %get3A_35 = arith.constant 0 : index
    %get3A_36 = arith.constant 0 : index
    %get3A_37 = vector.load %arg8[%get3A_35, %get3A_36] : memref<1x128xf32, #tpu.memory_space<vmem>>, vector<1x128xf32>
    %reduce_sum3A = arith.constant dense<0.000000e+00> : vector<128xf32>
    %reduce_sum3A_38 = vector.multi_reduction <add>, %add3A_31, %reduce_sum3A [0] : vector<10000x128xf32> to vector<128xf32>
    %broadcast_in_dim3A = vector.shape_cast %reduce_sum3A_38 : vector<128xf32> to vector<1x128xf32>
    %div3A = arith.constant 1.000000e+04 : f32
    %div3A_39 = vector.broadcast %div3A : f32 to vector<1x128xf32>
    %div3A_40 = arith.divf %broadcast_in_dim3A, %div3A_39 : vector<1x128xf32>
    %mul3A = arith.mulf %add3A_31, %add3A_31 : vector<10000x128xf32>
    %reduce_sum3A_41 = arith.constant dense<0.000000e+00> : vector<128xf32>
    %reduce_sum3A_42 = vector.multi_reduction <add>, %mul3A, %reduce_sum3A_41 [0] : vector<10000x128xf32> to vector<128xf32>
    %broadcast_in_dim3A_43 = vector.shape_cast %reduce_sum3A_42 : vector<128xf32> to vector<1x128xf32>
    %div3A_44 = arith.constant 1.000000e+04 : f32
    %div3A_45 = vector.broadcast %div3A_44 : f32 to vector<1x128xf32>
    %div3A_46 = arith.divf %broadcast_in_dim3A_43, %div3A_45 : vector<1x128xf32>
    %mul3A_47 = arith.mulf %div3A_40, %div3A_40 : vector<1x128xf32>
    %sub3A = arith.subf %div3A_46, %mul3A_47 : vector<1x128xf32>
    %sub3A_48 = vector.broadcast %div3A_40 : vector<1x128xf32> to vector<10000x128xf32>
    %sub3A_49 = arith.subf %add3A_31, %sub3A_48 : vector<10000x128xf32>
    %add3A_50 = arith.constant 9.99999974E-6 : f32
    %add3A_51 = vector.broadcast %add3A_50 : f32 to vector<1x128xf32>
    %add3A_52 = arith.addf %sub3A, %add3A_51 : vector<1x128xf32>
    %rsqrt3A = math.rsqrt %add3A_52 : vector<1x128xf32>
    %mul3A_53 = vector.broadcast %rsqrt3A : vector<1x128xf32> to vector<10000x128xf32>
    %mul3A_54 = arith.mulf %sub3A_49, %mul3A_53 : vector<10000x128xf32>
    %mul3A_55 = vector.broadcast %get3A_34 : vector<1x128xf32> to vector<10000x128xf32>
    %mul3A_56 = arith.mulf %mul3A_54, %mul3A_55 : vector<10000x128xf32>
    %add3A_57 = vector.broadcast %get3A_37 : vector<1x128xf32> to vector<10000x128xf32>
    %add3A_58 = arith.addf %mul3A_56, %add3A_57 : vector<10000x128xf32>
    %swap3A = arith.constant 0 : index
    %swap3A_59 = arith.constant 0 : index
    %swap3A_60 = vector.load %arg9[%swap3A, %swap3A_59] : memref<10000x128xf32, #tpu.memory_space<vmem>>, vector<10000x128xf32>
    tpu.vector_store %arg9[%swap3A, %swap3A_59], %add3A_58 {strides = array<i32>} : memref<10000x128xf32, #tpu.memory_space<vmem>>, vector<10000x128xf32>,
    return
  }
}

module attributes {stable_mosaic.version = 14 : i64} {
  func.func @_mix0_body(%arg0: memref<10000x128xf32, #tpu.memory_space<vmem>>, %arg1: memref<10000x128xf32, #tpu.memory_space<vmem>>, %arg2: memref<4x10000x32xf32, #tpu.memory_space<vmem>>, %arg3: memref<4x32x128xbf16, #tpu.memory_space<vmem>>, %arg4: memref<1x128xf32, #tpu.memory_space<vmem>>, %arg5: memref<1x128xf32, #tpu.memory_space<vmem>>, %arg6: memref<1x128xf32, #tpu.memory_space<vmem>>, %arg7: memref<128x256xbf16, #tpu.memory_space<vmem>>, %arg8: memref<1x256xf32, #tpu.memory_space<vmem>>, %arg9: memref<256x128xbf16, #tpu.memory_space<vmem>>, %arg10: memref<1x128xf32, #tpu.memory_space<vmem>>, %arg11: memref<1x128xf32, #tpu.memory_space<vmem>>, %arg12: memref<1x128xf32, #tpu.memory_space<vmem>>, %arg13: memref<10000x128xf32, #tpu.memory_space<vmem>>) attributes {dimension_semantics = [], scalar_prefetch = 0 : i64, scratch_operands = 0 : i64, tpu.core_type = #tpu.core_type<tc>} {
    %get3A = arith.constant 0 : index
    %get3A_0 = arith.constant 0 : index
    %get3A_1 = vector.load %arg0[%get3A, %get3A_0] : memref<10000x128xf32, #tpu.memory_space<vmem>>, vector<10000x128xf32>
    %get3A_2 = arith.constant 0 : index
    %get3A_3 = arith.constant 0 : index
    %get3A_4 = vector.load %arg1[%get3A_2, %get3A_3] : memref<10000x128xf32, #tpu.memory_space<vmem>>, vector<10000x128xf32>
    %get3A_5 = arith.constant 0 : index
    %get3A_6 = arith.constant 0 : index
    %get3A_7 = vector.load %arg4[%get3A_5, %get3A_6] : memref<1x128xf32, #tpu.memory_space<vmem>>, vector<1x128xf32>
    %get3A_8 = arith.constant 0 : index
    %get3A_9 = arith.constant 0 : index
    %get3A_10 = vector.load %arg5[%get3A_8, %get3A_9] : memref<1x128xf32, #tpu.memory_space<vmem>>, vector<1x128xf32>
    %get3A_11 = arith.constant 0 : index
    %get3A_12 = arith.constant 0 : index
    %get3A_13 = vector.load %arg6[%get3A_11, %get3A_12] : memref<1x128xf32, #tpu.memory_space<vmem>>, vector<1x128xf32>
    %get3A_14 = arith.constant 0 : index
    %get3A_15 = arith.constant 0 : index
    %get3A_16 = vector.load %arg7[%get3A_14, %get3A_15] : memref<128x256xbf16, #tpu.memory_space<vmem>>, vector<128x256xbf16>
    %get3A_17 = arith.constant 0 : index
    %get3A_18 = arith.constant 0 : index
    %get3A_19 = vector.load %arg8[%get3A_17, %get3A_18] : memref<1x256xf32, #tpu.memory_space<vmem>>, vector<1x256xf32>
    %get3A_20 = arith.constant 0 : index
    %get3A_21 = arith.constant 0 : index
    %get3A_22 = vector.load %arg9[%get3A_20, %get3A_21] : memref<256x128xbf16, #tpu.memory_space<vmem>>, vector<256x128xbf16>
    %get3A_23 = arith.constant 0 : index
    %get3A_24 = arith.constant 0 : index
    %get3A_25 = vector.load %arg10[%get3A_23, %get3A_24] : memref<1x128xf32, #tpu.memory_space<vmem>>, vector<1x128xf32>
    %get3A_26 = arith.constant 0 : index
    %get3A_27 = arith.constant 0 : index
    %get3A_28 = vector.load %arg11[%get3A_26, %get3A_27] : memref<1x128xf32, #tpu.memory_space<vmem>>, vector<1x128xf32>
    %get3A_29 = arith.constant 0 : index
    %get3A_30 = arith.constant 0 : index
    %get3A_31 = vector.load %arg12[%get3A_29, %get3A_30] : memref<1x128xf32, #tpu.memory_space<vmem>>, vector<1x128xf32>
    %add3A = vector.broadcast %get3A_7 : vector<1x128xf32> to vector<10000x128xf32>
    %add3A_32 = arith.addf %add3A, %get3A_1 : vector<10000x128xf32>
    %get3A_33 = arith.constant 0 : index
    %get3A_34 = arith.constant 0 : index
    %get3A_35 = arith.constant 0 : index
    %get3A_36 = vector.load %arg2[%get3A_33, %get3A_34, %get3A_35] : memref<4x10000x32xf32, #tpu.memory_space<vmem>>, vector<1x10000x32xf32>
    %get3A_37 = vector.shape_cast %get3A_36 : vector<1x10000x32xf32> to vector<10000x32xf32>
    %convert_element_type3A = arith.truncf %get3A_37 : vector<10000x32xf32> to vector<10000x32xbf16>
    %get3A_38 = arith.constant 0 : index
    %get3A_39 = arith.constant 0 : index
    %get3A_40 = arith.constant 0 : index
    %get3A_41 = vector.load %arg3[%get3A_38, %get3A_39, %get3A_40] : memref<4x32x128xbf16, #tpu.memory_space<vmem>>, vector<1x32x128xbf16>
    %get3A_42 = vector.shape_cast %get3A_41 : vector<1x32x128xbf16> to vector<32x128xbf16>
    %dot_general3A = arith.constant dense<0.000000e+00> : vector<10000x128xf32>
    %dot_general3A_43 = tpu.matmul %convert_element_type3A, %get3A_42, %dot_general3A {dimension_numbers = #tpu.dot_dimension_numbers<[1], [0], [0], [1], [0, 0, 1, 1], [], []>, transpose_lhs_hint = false} : vector<10000x32xbf16>, vector<32x128xbf16>, vector<10000x128xf32> -> vector<10000x128xf32>
    %add3A_44 = arith.addf %add3A_32, %dot_general3A_43 : vector<10000x128xf32>
    %get3A_45 = arith.constant 1 : index
    %get3A_46 = arith.constant 0 : index
    %get3A_47 = arith.constant 0 : index
    %get3A_48 = vector.load %arg2[%get3A_45, %get3A_46, %get3A_47] : memref<4x10000x32xf32, #tpu.memory_space<vmem>>, vector<1x10000x32xf32>
    %get3A_49 = vector.shape_cast %get3A_48 : vector<1x10000x32xf32> to vector<10000x32xf32>
    %convert_element_type3A_50 = arith.truncf %get3A_49 : vector<10000x32xf32> to vector<10000x32xbf16>
    %get3A_51 = arith.constant 1 : index
    %get3A_52 = arith.constant 0 : index
    %get3A_53 = arith.constant 0 : index
    %get3A_54 = vector.load %arg3[%get3A_51, %get3A_52, %get3A_53] : memref<4x32x128xbf16, #tpu.memory_space<vmem>>, vector<1x32x128xbf16>
    %get3A_55 = vector.shape_cast %get3A_54 : vector<1x32x128xbf16> to vector<32x128xbf16>
    %dot_general3A_56 = arith.constant dense<0.000000e+00> : vector<10000x128xf32>
    %dot_general3A_57 = tpu.matmul %convert_element_type3A_50, %get3A_55, %dot_general3A_56 {dimension_numbers = #tpu.dot_dimension_numbers<[1], [0], [0], [1], [0, 0, 1, 1], [], []>, transpose_lhs_hint = false} : vector<10000x32xbf16>, vector<32x128xbf16>, vector<10000x128xf32> -> vector<10000x128xf32>
    %add3A_58 = arith.addf %add3A_44, %dot_general3A_57 : vector<10000x128xf32>
    %get3A_59 = arith.constant 2 : index
    %get3A_60 = arith.constant 0 : index
    %get3A_61 = arith.constant 0 : index
    %get3A_62 = vector.load %arg2[%get3A_59, %get3A_60, %get3A_61] : memref<4x10000x32xf32, #tpu.memory_space<vmem>>, vector<1x10000x32xf32>
    %get3A_63 = vector.shape_cast %get3A_62 : vector<1x10000x32xf32> to vector<10000x32xf32>
    %convert_element_type3A_64 = arith.truncf %get3A_63 : vector<10000x32xf32> to vector<10000x32xbf16>
    %get3A_65 = arith.constant 2 : index
    %get3A_66 = arith.constant 0 : index
    %get3A_67 = arith.constant 0 : index
    %get3A_68 = vector.load %arg3[%get3A_65, %get3A_66, %get3A_67] : memref<4x32x128xbf16, #tpu.memory_space<vmem>>, vector<1x32x128xbf16>
    %get3A_69 = vector.shape_cast %get3A_68 : vector<1x32x128xbf16> to vector<32x128xbf16>
    %dot_general3A_70 = arith.constant dense<0.000000e+00> : vector<10000x128xf32>
    %dot_general3A_71 = tpu.matmul %convert_element_type3A_64, %get3A_69, %dot_general3A_70 {dimension_numbers = #tpu.dot_dimension_numbers<[1], [0], [0], [1], [0, 0, 1, 1], [], []>, transpose_lhs_hint = false} : vector<10000x32xbf16>, vector<32x128xbf16>, vector<10000x128xf32> -> vector<10000x128xf32>
    %add3A_72 = arith.addf %add3A_58, %dot_general3A_71 : vector<10000x128xf32>
    %get3A_73 = arith.constant 3 : index
    %get3A_74 = arith.constant 0 : index
    %get3A_75 = arith.constant 0 : index
    %get3A_76 = vector.load %arg2[%get3A_73, %get3A_74, %get3A_75] : memref<4x10000x32xf32, #tpu.memory_space<vmem>>, vector<1x10000x32xf32>
    %get3A_77 = vector.shape_cast %get3A_76 : vector<1x10000x32xf32> to vector<10000x32xf32>
    %convert_element_type3A_78 = arith.truncf %get3A_77 : vector<10000x32xf32> to vector<10000x32xbf16>
    %get3A_79 = arith.constant 3 : index
    %get3A_80 = arith.constant 0 : index
    %get3A_81 = arith.constant 0 : index
    %get3A_82 = vector.load %arg3[%get3A_79, %get3A_80, %get3A_81] : memref<4x32x128xbf16, #tpu.memory_space<vmem>>, vector<1x32x128xbf16>
    %get3A_83 = vector.shape_cast %get3A_82 : vector<1x32x128xbf16> to vector<32x128xbf16>
    %dot_general3A_84 = arith.constant dense<0.000000e+00> : vector<10000x128xf32>
    %dot_general3A_85 = tpu.matmul %convert_element_type3A_78, %get3A_83, %dot_general3A_84 {dimension_numbers = #tpu.dot_dimension_numbers<[1], [0], [0], [1], [0, 0, 1, 1], [], []>, transpose_lhs_hint = false} : vector<10000x32xbf16>, vector<32x128xbf16>, vector<10000x128xf32> -> vector<10000x128xf32>
    %add3A_86 = arith.addf %add3A_72, %dot_general3A_85 : vector<10000x128xf32>
    %reduce_sum3A = arith.constant dense<0.000000e+00> : vector<128xf32>
    %reduce_sum3A_87 = vector.multi_reduction <add>, %add3A_86, %reduce_sum3A [0] : vector<10000x128xf32> to vector<128xf32>
    %broadcast_in_dim3A = vector.shape_cast %reduce_sum3A_87 : vector<128xf32> to vector<1x128xf32>
    %div3A = arith.constant 1.000000e+04 : f32
    %div3A_88 = vector.broadcast %div3A : f32 to vector<1x128xf32>
    %div3A_89 = arith.divf %broadcast_in_dim3A, %div3A_88 : vector<1x128xf32>
    %mul3A = arith.mulf %add3A_86, %add3A_86 : vector<10000x128xf32>
    %reduce_sum3A_90 = arith.constant dense<0.000000e+00> : vector<128xf32>
    %reduce_sum3A_91 = vector.multi_reduction <add>, %mul3A, %reduce_sum3A_90 [0] : vector<10000x128xf32> to vector<128xf32>
    %broadcast_in_dim3A_92 = vector.shape_cast %reduce_sum3A_91 : vector<128xf32> to vector<1x128xf32>
    %div3A_93 = arith.constant 1.000000e+04 : f32
    %div3A_94 = vector.broadcast %div3A_93 : f32 to vector<1x128xf32>
    %div3A_95 = arith.divf %broadcast_in_dim3A_92, %div3A_94 : vector<1x128xf32>
    %mul3A_96 = arith.mulf %div3A_89, %div3A_89 : vector<1x128xf32>
    %sub3A = arith.subf %div3A_95, %mul3A_96 : vector<1x128xf32>
    %sub3A_97 = vector.broadcast %div3A_89 : vector<1x128xf32> to vector<10000x128xf32>
    %sub3A_98 = arith.subf %add3A_86, %sub3A_97 : vector<10000x128xf32>
    %add3A_99 = arith.constant 9.99999974E-6 : f32
    %add3A_100 = vector.broadcast %add3A_99 : f32 to vector<1x128xf32>
    %add3A_101 = arith.addf %sub3A, %add3A_100 : vector<1x128xf32>
    %rsqrt3A = math.rsqrt %add3A_101 : vector<1x128xf32>
    %mul3A_102 = vector.broadcast %rsqrt3A : vector<1x128xf32> to vector<10000x128xf32>
    %mul3A_103 = arith.mulf %sub3A_98, %mul3A_102 : vector<10000x128xf32>
    %mul3A_104 = vector.broadcast %get3A_10 : vector<1x128xf32> to vector<10000x128xf32>
    %mul3A_105 = arith.mulf %mul3A_103, %mul3A_104 : vector<10000x128xf32>
    %add3A_106 = vector.broadcast %get3A_13 : vector<1x128xf32> to vector<10000x128xf32>
    %add3A_107 = arith.addf %mul3A_105, %add3A_106 : vector<10000x128xf32>
    %add3A_108 = arith.addf %get3A_4, %add3A_107 : vector<10000x128xf32>
    %convert_element_type3A_109 = arith.truncf %add3A_108 : vector<10000x128xf32> to vector<10000x128xbf16>
    %dot_general3A_110 = arith.constant dense<0.000000e+00> : vector<10000x256xf32>
    %dot_general3A_111 = tpu.matmul %convert_element_type3A_109, %get3A_16, %dot_general3A_110 {dimension_numbers = #tpu.dot_dimension_numbers<[1], [0], [0], [1], [0, 0, 1, 1], [], []>, transpose_lhs_hint = false} : vector<10000x128xbf16>, vector<128x256xbf16>, vector<10000x256xf32> -> vector<10000x256xf32>
    %add3A_112 = vector.broadcast %get3A_19 : vector<1x256xf32> to vector<10000x256xf32>
    %add3A_113 = arith.addf %dot_general3A_111, %add3A_112 : vector<10000x256xf32>
    %max3A = arith.constant 0.000000e+00 : f32
    %max3A_114 = vector.broadcast %max3A : f32 to vector<10000x256xf32>
    %max3A_115 = arith.maximumf %add3A_113, %max3A_114 : vector<10000x256xf32>
    %convert_element_type3A_116 = arith.truncf %max3A_115 : vector<10000x256xf32> to vector<10000x256xbf16>
    %dot_general3A_117 = arith.constant dense<0.000000e+00> : vector<10000x128xf32>
    %dot_general3A_118 = tpu.matmul %convert_element_type3A_116, %get3A_22, %dot_general3A_117 {dimension_numbers = #tpu.dot_dimension_numbers<[1], [0], [0], [1], [0, 0, 1, 1], [], []>, transpose_lhs_hint = false} : vector<10000x256xbf16>, vector<256x128xbf16>, vector<10000x128xf32> -> vector<10000x128xf32>
    %add3A_119 = vector.broadcast %get3A_25 : vector<1x128xf32> to vector<10000x128xf32>
    %add3A_120 = arith.addf %dot_general3A_118, %add3A_119 : vector<10000x128xf32>
    %add3A_121 = arith.addf %add3A_108, %add3A_120 : vector<10000x128xf32>
    %reduce_sum3A_122 = arith.constant dense<0.000000e+00> : vector<128xf32>
    %reduce_sum3A_123 = vector.multi_reduction <add>, %add3A_121, %reduce_sum3A_122 [0] : vector<10000x128xf32> to vector<128xf32>
    %broadcast_in_dim3A_124 = vector.shape_cast %reduce_sum3A_123 : vector<128xf32> to vector<1x128xf32>
    %div3A_125 = arith.constant 1.000000e+04 : f32
    %div3A_126 = vector.broadcast %div3A_125 : f32 to vector<1x128xf32>
    %div3A_127 = arith.divf %broadcast_in_dim3A_124, %div3A_126 : vector<1x128xf32>
    %mul3A_128 = arith.mulf %add3A_121, %add3A_121 : vector<10000x128xf32>
    %reduce_sum3A_129 = arith.constant dense<0.000000e+00> : vector<128xf32>
    %reduce_sum3A_130 = vector.multi_reduction <add>, %mul3A_128, %reduce_sum3A_129 [0] : vector<10000x128xf32> to vector<128xf32>
    %broadcast_in_dim3A_131 = vector.shape_cast %reduce_sum3A_130 : vector<128xf32> to vector<1x128xf32>
    %div3A_132 = arith.constant 1.000000e+04 : f32
    %div3A_133 = vector.broadcast %div3A_132 : f32 to vector<1x128xf32>
    %div3A_134 = arith.divf %broadcast_in_dim3A_131, %div3A_133 : vector<1x128xf32>
    %mul3A_135 = arith.mulf %div3A_127, %div3A_127 : vector<1x128xf32>
    %sub3A_136 = arith.subf %div3A_134, %mul3A_135 : vector<1x128xf32>
    %sub3A_137 = vector.broadcast %div3A_127 : vector<1x128xf32> to vector<10000x128xf32>
    %sub3A_138 = arith.subf %add3A_121, %sub3A_137 : vector<10000x128xf32>
    %add3A_139 = arith.constant 9.99999974E-6 : f32
    %add3A_140 = vector.broadcast %add3A_139 : f32 to vector<1x128xf32>
    %add3A_141 = arith.addf %sub3A_136, %add3A_140 : vector<1x128xf32>
    %rsqrt3A_142 = math.rsqrt %add3A_141 : vector<1x128xf32>
    %mul3A_143 = vector.broadcast %rsqrt3A_142 : vector<1x128xf32> to vector<10000x128xf32>
    %mul3A_144 = arith.mulf %sub3A_138, %mul3A_143 : vector<10000x128xf32>
    %mul3A_145 = vector.broadcast %get3A_28 : vector<1x128xf32> to vector<10000x128xf32>
    %mul3A_146 = arith.mulf %mul3A_144, %mul3A_145 : vector<10000x128xf32>
    %add3A_147 = vector.broadcast %get3A_31 : vector<1x128xf32> to vector<10000x128xf32>
    %add3A_148 = arith.addf %mul3A_146, %add3A_147 : vector<10000x128xf32>
    %swap3A = arith.constant 0 : index
    %swap3A_149 = arith.constant 0 : index
    %swap3A_150 = vector.load %arg13[%swap3A, %swap3A_149] : memref<10000x128xf32, #tpu.memory_space<vmem>>, vector<10000x128xf32>
    tpu.vector_store %arg13[%swap3A, %swap3A_149], %add3A_148 {strides = array<i32>} : memref<10000x128xf32, #tpu.memory_space<vmem>>, vector<10000x128xf32>,
    return
  }
}

module attributes {stable_mosaic.version = 14 : i64} {
  func.func @_mix1_body(%arg0: memref<10000x128xf32, #tpu.memory_space<vmem>>, %arg1: memref<10000x128xf32, #tpu.memory_space<vmem>>, %arg2: memref<4x10000x32xf32, #tpu.memory_space<vmem>>, %arg3: memref<4x32x128xbf16, #tpu.memory_space<vmem>>, %arg4: memref<1x128xf32, #tpu.memory_space<vmem>>, %arg5: memref<1x128xf32, #tpu.memory_space<vmem>>, %arg6: memref<1x128xf32, #tpu.memory_space<vmem>>, %arg7: memref<128x256xbf16, #tpu.memory_space<vmem>>, %arg8: memref<1x256xf32, #tpu.memory_space<vmem>>, %arg9: memref<256x128xbf16, #tpu.memory_space<vmem>>, %arg10: memref<1x128xf32, #tpu.memory_space<vmem>>, %arg11: memref<1x128xf32, #tpu.memory_space<vmem>>, %arg12: memref<1x128xf32, #tpu.memory_space<vmem>>, %arg13: memref<128x64xf32, #tpu.memory_space<vmem>>, %arg14: memref<1x64xf32, #tpu.memory_space<vmem>>, %arg15: memref<64x32xf32, #tpu.memory_space<vmem>>, %arg16: memref<1x32xf32, #tpu.memory_space<vmem>>, %arg17: memref<32x1xf32, #tpu.memory_space<vmem>>, %arg18: memref<1x1xf32, #tpu.memory_space<vmem>>, %arg19: memref<10000x1xf32, #tpu.memory_space<vmem>>) attributes {dimension_semantics = [], scalar_prefetch = 0 : i64, scratch_operands = 0 : i64, tpu.core_type = #tpu.core_type<tc>} {
    %get3A = arith.constant 0 : index
    %get3A_0 = arith.constant 0 : index
    %get3A_1 = vector.load %arg0[%get3A, %get3A_0] : memref<10000x128xf32, #tpu.memory_space<vmem>>, vector<10000x128xf32>
    %get3A_2 = arith.constant 0 : index
    %get3A_3 = arith.constant 0 : index
    %get3A_4 = vector.load %arg1[%get3A_2, %get3A_3] : memref<10000x128xf32, #tpu.memory_space<vmem>>, vector<10000x128xf32>
    %get3A_5 = arith.constant 0 : index
    %get3A_6 = arith.constant 0 : index
    %get3A_7 = vector.load %arg4[%get3A_5, %get3A_6] : memref<1x128xf32, #tpu.memory_space<vmem>>, vector<1x128xf32>
    %get3A_8 = arith.constant 0 : index
    %get3A_9 = arith.constant 0 : index
    %get3A_10 = vector.load %arg5[%get3A_8, %get3A_9] : memref<1x128xf32, #tpu.memory_space<vmem>>, vector<1x128xf32>
    %get3A_11 = arith.constant 0 : index
    %get3A_12 = arith.constant 0 : index
    %get3A_13 = vector.load %arg6[%get3A_11, %get3A_12] : memref<1x128xf32, #tpu.memory_space<vmem>>, vector<1x128xf32>
    %get3A_14 = arith.constant 0 : index
    %get3A_15 = arith.constant 0 : index
    %get3A_16 = vector.load %arg7[%get3A_14, %get3A_15] : memref<128x256xbf16, #tpu.memory_space<vmem>>, vector<128x256xbf16>
    %get3A_17 = arith.constant 0 : index
    %get3A_18 = arith.constant 0 : index
    %get3A_19 = vector.load %arg8[%get3A_17, %get3A_18] : memref<1x256xf32, #tpu.memory_space<vmem>>, vector<1x256xf32>
    %get3A_20 = arith.constant 0 : index
    %get3A_21 = arith.constant 0 : index
    %get3A_22 = vector.load %arg9[%get3A_20, %get3A_21] : memref<256x128xbf16, #tpu.memory_space<vmem>>, vector<256x128xbf16>
    %get3A_23 = arith.constant 0 : index
    %get3A_24 = arith.constant 0 : index
    %get3A_25 = vector.load %arg10[%get3A_23, %get3A_24] : memref<1x128xf32, #tpu.memory_space<vmem>>, vector<1x128xf32>
    %get3A_26 = arith.constant 0 : index
    %get3A_27 = arith.constant 0 : index
    %get3A_28 = vector.load %arg11[%get3A_26, %get3A_27] : memref<1x128xf32, #tpu.memory_space<vmem>>, vector<1x128xf32>
    %get3A_29 = arith.constant 0 : index
    %get3A_30 = arith.constant 0 : index
    %get3A_31 = vector.load %arg12[%get3A_29, %get3A_30] : memref<1x128xf32, #tpu.memory_space<vmem>>, vector<1x128xf32>
    %add3A = vector.broadcast %get3A_7 : vector<1x128xf32> to vector<10000x128xf32>
    %add3A_32 = arith.addf %add3A, %get3A_1 : vector<10000x128xf32>
    %get3A_33 = arith.constant 0 : index
    %get3A_34 = arith.constant 0 : index
    %get3A_35 = arith.constant 0 : index
    %get3A_36 = vector.load %arg2[%get3A_33, %get3A_34, %get3A_35] : memref<4x10000x32xf32, #tpu.memory_space<vmem>>, vector<1x10000x32xf32>
    %get3A_37 = vector.shape_cast %get3A_36 : vector<1x10000x32xf32> to vector<10000x32xf32>
    %convert_element_type3A = arith.truncf %get3A_37 : vector<10000x32xf32> to vector<10000x32xbf16>
    %get3A_38 = arith.constant 0 : index
    %get3A_39 = arith.constant 0 : index
    %get3A_40 = arith.constant 0 : index
    %get3A_41 = vector.load %arg3[%get3A_38, %get3A_39, %get3A_40] : memref<4x32x128xbf16, #tpu.memory_space<vmem>>, vector<1x32x128xbf16>
    %get3A_42 = vector.shape_cast %get3A_41 : vector<1x32x128xbf16> to vector<32x128xbf16>
    %dot_general3A = arith.constant dense<0.000000e+00> : vector<10000x128xf32>
    %dot_general3A_43 = tpu.matmul %convert_element_type3A, %get3A_42, %dot_general3A {dimension_numbers = #tpu.dot_dimension_numbers<[1], [0], [0], [1], [0, 0, 1, 1], [], []>, transpose_lhs_hint = false} : vector<10000x32xbf16>, vector<32x128xbf16>, vector<10000x128xf32> -> vector<10000x128xf32>
    %add3A_44 = arith.addf %add3A_32, %dot_general3A_43 : vector<10000x128xf32>
    %get3A_45 = arith.constant 1 : index
    %get3A_46 = arith.constant 0 : index
    %get3A_47 = arith.constant 0 : index
    %get3A_48 = vector.load %arg2[%get3A_45, %get3A_46, %get3A_47] : memref<4x10000x32xf32, #tpu.memory_space<vmem>>, vector<1x10000x32xf32>
    %get3A_49 = vector.shape_cast %get3A_48 : vector<1x10000x32xf32> to vector<10000x32xf32>
    %convert_element_type3A_50 = arith.truncf %get3A_49 : vector<10000x32xf32> to vector<10000x32xbf16>
    %get3A_51 = arith.constant 1 : index
    %get3A_52 = arith.constant 0 : index
    %get3A_53 = arith.constant 0 : index
    %get3A_54 = vector.load %arg3[%get3A_51, %get3A_52, %get3A_53] : memref<4x32x128xbf16, #tpu.memory_space<vmem>>, vector<1x32x128xbf16>
    %get3A_55 = vector.shape_cast %get3A_54 : vector<1x32x128xbf16> to vector<32x128xbf16>
    %dot_general3A_56 = arith.constant dense<0.000000e+00> : vector<10000x128xf32>
    %dot_general3A_57 = tpu.matmul %convert_element_type3A_50, %get3A_55, %dot_general3A_56 {dimension_numbers = #tpu.dot_dimension_numbers<[1], [0], [0], [1], [0, 0, 1, 1], [], []>, transpose_lhs_hint = false} : vector<10000x32xbf16>, vector<32x128xbf16>, vector<10000x128xf32> -> vector<10000x128xf32>
    %add3A_58 = arith.addf %add3A_44, %dot_general3A_57 : vector<10000x128xf32>
    %get3A_59 = arith.constant 2 : index
    %get3A_60 = arith.constant 0 : index
    %get3A_61 = arith.constant 0 : index
    %get3A_62 = vector.load %arg2[%get3A_59, %get3A_60, %get3A_61] : memref<4x10000x32xf32, #tpu.memory_space<vmem>>, vector<1x10000x32xf32>
    %get3A_63 = vector.shape_cast %get3A_62 : vector<1x10000x32xf32> to vector<10000x32xf32>
    %convert_element_type3A_64 = arith.truncf %get3A_63 : vector<10000x32xf32> to vector<10000x32xbf16>
    %get3A_65 = arith.constant 2 : index
    %get3A_66 = arith.constant 0 : index
    %get3A_67 = arith.constant 0 : index
    %get3A_68 = vector.load %arg3[%get3A_65, %get3A_66, %get3A_67] : memref<4x32x128xbf16, #tpu.memory_space<vmem>>, vector<1x32x128xbf16>
    %get3A_69 = vector.shape_cast %get3A_68 : vector<1x32x128xbf16> to vector<32x128xbf16>
    %dot_general3A_70 = arith.constant dense<0.000000e+00> : vector<10000x128xf32>
    %dot_general3A_71 = tpu.matmul %convert_element_type3A_64, %get3A_69, %dot_general3A_70 {dimension_numbers = #tpu.dot_dimension_numbers<[1], [0], [0], [1], [0, 0, 1, 1], [], []>, transpose_lhs_hint = false} : vector<10000x32xbf16>, vector<32x128xbf16>, vector<10000x128xf32> -> vector<10000x128xf32>
    %add3A_72 = arith.addf %add3A_58, %dot_general3A_71 : vector<10000x128xf32>
    %get3A_73 = arith.constant 3 : index
    %get3A_74 = arith.constant 0 : index
    %get3A_75 = arith.constant 0 : index
    %get3A_76 = vector.load %arg2[%get3A_73, %get3A_74, %get3A_75] : memref<4x10000x32xf32, #tpu.memory_space<vmem>>, vector<1x10000x32xf32>
    %get3A_77 = vector.shape_cast %get3A_76 : vector<1x10000x32xf32> to vector<10000x32xf32>
    %convert_element_type3A_78 = arith.truncf %get3A_77 : vector<10000x32xf32> to vector<10000x32xbf16>
    %get3A_79 = arith.constant 3 : index
    %get3A_80 = arith.constant 0 : index
    %get3A_81 = arith.constant 0 : index
    %get3A_82 = vector.load %arg3[%get3A_79, %get3A_80, %get3A_81] : memref<4x32x128xbf16, #tpu.memory_space<vmem>>, vector<1x32x128xbf16>
    %get3A_83 = vector.shape_cast %get3A_82 : vector<1x32x128xbf16> to vector<32x128xbf16>
    %dot_general3A_84 = arith.constant dense<0.000000e+00> : vector<10000x128xf32>
    %dot_general3A_85 = tpu.matmul %convert_element_type3A_78, %get3A_83, %dot_general3A_84 {dimension_numbers = #tpu.dot_dimension_numbers<[1], [0], [0], [1], [0, 0, 1, 1], [], []>, transpose_lhs_hint = false} : vector<10000x32xbf16>, vector<32x128xbf16>, vector<10000x128xf32> -> vector<10000x128xf32>
    %add3A_86 = arith.addf %add3A_72, %dot_general3A_85 : vector<10000x128xf32>
    %reduce_sum3A = arith.constant dense<0.000000e+00> : vector<128xf32>
    %reduce_sum3A_87 = vector.multi_reduction <add>, %add3A_86, %reduce_sum3A [0] : vector<10000x128xf32> to vector<128xf32>
    %broadcast_in_dim3A = vector.shape_cast %reduce_sum3A_87 : vector<128xf32> to vector<1x128xf32>
    %div3A = arith.constant 1.000000e+04 : f32
    %div3A_88 = vector.broadcast %div3A : f32 to vector<1x128xf32>
    %div3A_89 = arith.divf %broadcast_in_dim3A, %div3A_88 : vector<1x128xf32>
    %mul3A = arith.mulf %add3A_86, %add3A_86 : vector<10000x128xf32>
    %reduce_sum3A_90 = arith.constant dense<0.000000e+00> : vector<128xf32>
    %reduce_sum3A_91 = vector.multi_reduction <add>, %mul3A, %reduce_sum3A_90 [0] : vector<10000x128xf32> to vector<128xf32>
    %broadcast_in_dim3A_92 = vector.shape_cast %reduce_sum3A_91 : vector<128xf32> to vector<1x128xf32>
    %div3A_93 = arith.constant 1.000000e+04 : f32
    %div3A_94 = vector.broadcast %div3A_93 : f32 to vector<1x128xf32>
    %div3A_95 = arith.divf %broadcast_in_dim3A_92, %div3A_94 : vector<1x128xf32>
    %mul3A_96 = arith.mulf %div3A_89, %div3A_89 : vector<1x128xf32>
    %sub3A = arith.subf %div3A_95, %mul3A_96 : vector<1x128xf32>
    %sub3A_97 = vector.broadcast %div3A_89 : vector<1x128xf32> to vector<10000x128xf32>
    %sub3A_98 = arith.subf %add3A_86, %sub3A_97 : vector<10000x128xf32>
    %add3A_99 = arith.constant 9.99999974E-6 : f32
    %add3A_100 = vector.broadcast %add3A_99 : f32 to vector<1x128xf32>
    %add3A_101 = arith.addf %sub3A, %add3A_100 : vector<1x128xf32>
    %rsqrt3A = math.rsqrt %add3A_101 : vector<1x128xf32>
    %mul3A_102 = vector.broadcast %rsqrt3A : vector<1x128xf32> to vector<10000x128xf32>
    %mul3A_103 = arith.mulf %sub3A_98, %mul3A_102 : vector<10000x128xf32>
    %mul3A_104 = vector.broadcast %get3A_10 : vector<1x128xf32> to vector<10000x128xf32>
    %mul3A_105 = arith.mulf %mul3A_103, %mul3A_104 : vector<10000x128xf32>
    %add3A_106 = vector.broadcast %get3A_13 : vector<1x128xf32> to vector<10000x128xf32>
    %add3A_107 = arith.addf %mul3A_105, %add3A_106 : vector<10000x128xf32>
    %add3A_108 = arith.addf %get3A_4, %add3A_107 : vector<10000x128xf32>
    %convert_element_type3A_109 = arith.truncf %add3A_108 : vector<10000x128xf32> to vector<10000x128xbf16>
    %dot_general3A_110 = arith.constant dense<0.000000e+00> : vector<10000x256xf32>
    %dot_general3A_111 = tpu.matmul %convert_element_type3A_109, %get3A_16, %dot_general3A_110 {dimension_numbers = #tpu.dot_dimension_numbers<[1], [0], [0], [1], [0, 0, 1, 1], [], []>, transpose_lhs_hint = false} : vector<10000x128xbf16>, vector<128x256xbf16>, vector<10000x256xf32> -> vector<10000x256xf32>
    %add3A_112 = vector.broadcast %get3A_19 : vector<1x256xf32> to vector<10000x256xf32>
    %add3A_113 = arith.addf %dot_general3A_111, %add3A_112 : vector<10000x256xf32>
    %max3A = arith.constant 0.000000e+00 : f32
    %max3A_114 = vector.broadcast %max3A : f32 to vector<10000x256xf32>
    %max3A_115 = arith.maximumf %add3A_113, %max3A_114 : vector<10000x256xf32>
    %convert_element_type3A_116 = arith.truncf %max3A_115 : vector<10000x256xf32> to vector<10000x256xbf16>
    %dot_general3A_117 = arith.constant dense<0.000000e+00> : vector<10000x128xf32>
    %dot_general3A_118 = tpu.matmul %convert_element_type3A_116, %get3A_22, %dot_general3A_117 {dimension_numbers = #tpu.dot_dimension_numbers<[1], [0], [0], [1], [0, 0, 1, 1], [], []>, transpose_lhs_hint = false} : vector<10000x256xbf16>, vector<256x128xbf16>, vector<10000x128xf32> -> vector<10000x128xf32>
    %add3A_119 = vector.broadcast %get3A_25 : vector<1x128xf32> to vector<10000x128xf32>
    %add3A_120 = arith.addf %dot_general3A_118, %add3A_119 : vector<10000x128xf32>
    %add3A_121 = arith.addf %add3A_108, %add3A_120 : vector<10000x128xf32>
    %reduce_sum3A_122 = arith.constant dense<0.000000e+00> : vector<128xf32>
    %reduce_sum3A_123 = vector.multi_reduction <add>, %add3A_121, %reduce_sum3A_122 [0] : vector<10000x128xf32> to vector<128xf32>
    %broadcast_in_dim3A_124 = vector.shape_cast %reduce_sum3A_123 : vector<128xf32> to vector<1x128xf32>
    %div3A_125 = arith.constant 1.000000e+04 : f32
    %div3A_126 = vector.broadcast %div3A_125 : f32 to vector<1x128xf32>
    %div3A_127 = arith.divf %broadcast_in_dim3A_124, %div3A_126 : vector<1x128xf32>
    %mul3A_128 = arith.mulf %add3A_121, %add3A_121 : vector<10000x128xf32>
    %reduce_sum3A_129 = arith.constant dense<0.000000e+00> : vector<128xf32>
    %reduce_sum3A_130 = vector.multi_reduction <add>, %mul3A_128, %reduce_sum3A_129 [0] : vector<10000x128xf32> to vector<128xf32>
    %broadcast_in_dim3A_131 = vector.shape_cast %reduce_sum3A_130 : vector<128xf32> to vector<1x128xf32>
    %div3A_132 = arith.constant 1.000000e+04 : f32
    %div3A_133 = vector.broadcast %div3A_132 : f32 to vector<1x128xf32>
    %div3A_134 = arith.divf %broadcast_in_dim3A_131, %div3A_133 : vector<1x128xf32>
    %mul3A_135 = arith.mulf %div3A_127, %div3A_127 : vector<1x128xf32>
    %sub3A_136 = arith.subf %div3A_134, %mul3A_135 : vector<1x128xf32>
    %sub3A_137 = vector.broadcast %div3A_127 : vector<1x128xf32> to vector<10000x128xf32>
    %sub3A_138 = arith.subf %add3A_121, %sub3A_137 : vector<10000x128xf32>
    %add3A_139 = arith.constant 9.99999974E-6 : f32
    %add3A_140 = vector.broadcast %add3A_139 : f32 to vector<1x128xf32>
    %add3A_141 = arith.addf %sub3A_136, %add3A_140 : vector<1x128xf32>
    %rsqrt3A_142 = math.rsqrt %add3A_141 : vector<1x128xf32>
    %mul3A_143 = vector.broadcast %rsqrt3A_142 : vector<1x128xf32> to vector<10000x128xf32>
    %mul3A_144 = arith.mulf %sub3A_138, %mul3A_143 : vector<10000x128xf32>
    %mul3A_145 = vector.broadcast %get3A_28 : vector<1x128xf32> to vector<10000x128xf32>
    %mul3A_146 = arith.mulf %mul3A_144, %mul3A_145 : vector<10000x128xf32>
    %add3A_147 = vector.broadcast %get3A_31 : vector<1x128xf32> to vector<10000x128xf32>
    %add3A_148 = arith.addf %mul3A_146, %add3A_147 : vector<10000x128xf32>
    %get3A_149 = arith.constant 0 : index
    %get3A_150 = arith.constant 0 : index
    %get3A_151 = vector.load %arg13[%get3A_149, %get3A_150] : memref<128x64xf32, #tpu.memory_space<vmem>>, vector<128x64xf32>
    %dot_general3A_152 = arith.constant dense<0.000000e+00> : vector<10000x64xf32>
    %dot_general3A_153 = tpu.matmul %add3A_148, %get3A_151, %dot_general3A_152 {dimension_numbers = #tpu.dot_dimension_numbers<[1], [0], [0], [1], [0, 0, 1, 1], [], []>, transpose_lhs_hint = false} : vector<10000x128xf32>, vector<128x64xf32>, vector<10000x64xf32> -> vector<10000x64xf32>
    %get3A_154 = arith.constant 0 : index
    %get3A_155 = arith.constant 0 : index
    %get3A_156 = vector.load %arg14[%get3A_154, %get3A_155] : memref<1x64xf32, #tpu.memory_space<vmem>>, vector<1x64xf32>
    %add3A_157 = vector.broadcast %get3A_156 : vector<1x64xf32> to vector<10000x64xf32>
    %add3A_158 = arith.addf %dot_general3A_153, %add3A_157 : vector<10000x64xf32>
    %max3A_159 = arith.constant 0.000000e+00 : f32
    %max3A_160 = vector.broadcast %max3A_159 : f32 to vector<10000x64xf32>
    %max3A_161 = arith.maximumf %add3A_158, %max3A_160 : vector<10000x64xf32>
    %get3A_162 = arith.constant 0 : index
    %get3A_163 = arith.constant 0 : index
    %get3A_164 = vector.load %arg15[%get3A_162, %get3A_163] : memref<64x32xf32, #tpu.memory_space<vmem>>, vector<64x32xf32>
    %dot_general3A_165 = arith.constant dense<0.000000e+00> : vector<10000x32xf32>
    %dot_general3A_166 = tpu.matmul %max3A_161, %get3A_164, %dot_general3A_165 {dimension_numbers = #tpu.dot_dimension_numbers<[1], [0], [0], [1], [0, 0, 1, 1], [], []>, transpose_lhs_hint = false} : vector<10000x64xf32>, vector<64x32xf32>, vector<10000x32xf32> -> vector<10000x32xf32>
    %get3A_167 = arith.constant 0 : index
    %get3A_168 = arith.constant 0 : index
    %get3A_169 = vector.load %arg16[%get3A_167, %get3A_168] : memref<1x32xf32, #tpu.memory_space<vmem>>, vector<1x32xf32>
    %add3A_170 = vector.broadcast %get3A_169 : vector<1x32xf32> to vector<10000x32xf32>
    %add3A_171 = arith.addf %dot_general3A_166, %add3A_170 : vector<10000x32xf32>
    %max3A_172 = arith.constant 0.000000e+00 : f32
    %max3A_173 = vector.broadcast %max3A_172 : f32 to vector<10000x32xf32>
    %max3A_174 = arith.maximumf %add3A_171, %max3A_173 : vector<10000x32xf32>
    %get3A_175 = arith.constant 0 : index
    %get3A_176 = arith.constant 0 : index
    %get3A_177 = vector.load %arg17[%get3A_175, %get3A_176] : memref<32x1xf32, #tpu.memory_space<vmem>>, vector<32x1xf32>
    %dot_general3A_178 = arith.constant dense<0.000000e+00> : vector<10000x1xf32>
    %dot_general3A_179 = tpu.matmul %max3A_174, %get3A_177, %dot_general3A_178 {dimension_numbers = #tpu.dot_dimension_numbers<[1], [0], [0], [1], [0, 0, 1, 1], [], []>, transpose_lhs_hint = false} : vector<10000x32xf32>, vector<32x1xf32>, vector<10000x1xf32> -> vector<10000x1xf32>
    %get3A_180 = arith.constant 0 : index
    %get3A_181 = arith.constant 0 : index
    %get3A_182 = vector.load %arg18[%get3A_180, %get3A_181] : memref<1x1xf32, #tpu.memory_space<vmem>>, vector<1x1xf32>
    %add3A_183 = vector.broadcast %get3A_182 : vector<1x1xf32> to vector<10000x1xf32>
    %add3A_184 = arith.addf %dot_general3A_179, %add3A_183 : vector<10000x1xf32>
    %swap3A = arith.constant 0 : index
    %swap3A_185 = arith.constant 0 : index
    %swap3A_186 = vector.load %arg19[%swap3A, %swap3A_185] : memref<10000x1xf32, #tpu.memory_space<vmem>>, vector<10000x1xf32>
    tpu.vector_store %arg19[%swap3A, %swap3A_185], %add3A_184 {strides = array<i32>} : memref<10000x1xf32, #tpu.memory_space<vmem>>, vector<10000x1xf32>,
    return
  }
}

</mosaic_0001>

<sc_bundles>
// kernel: kernel.12.cloned.1.call-start
scs
__scs_entry_jumppad:
0x0: {  	(pc) =	sbr.rel $0x88, $3  }
0x1: {  	(tag) =	ssettag $0x0;
	lr =	simm.s32 $0x1  }
0x2: {  	[smem:$0x3F87] =	sst lr;
	_ =	strace $0xD0000000  }
0x3: {  	_ = 	snop  }
0x4: {  	_ = 	snop  }
0x5: {  	_ = 	snop  }
0x6: {  	_ = 	snop  }
0x7: {  	_ = 	snop  }
__scs_overlays_trampoline_lowered:
0x8: {  	[smem:$0x3F96] =	sst s0  }
0x9: {  	[smem:$0x3F97] =	sst s1  }
0xa: {  	[smem:$0x3F98] =	sst s2  }
0xb: {  	[smem:$0x3F99] =	sst s3  }
0xc: {  	[smem:$0x3F9A] =	sst s4  }
0xd: {  	[smem:$0x3F9B] =	sst s5  }
0xe: {  	[smem:$0x3F9C] =	sst s6  }
0xf: {  	[smem:$0x3F9D] =	sst s7  }
0x10: {  	[smem:$0x3F9E] =	sst s8  }
0x11: {  	[smem:$0x3F9F] =	sst s9;
	s0 =	simm.s32 @!p0 $0x0  }
0x12: {  	s1 =	sld [smem:$0x3F85];
	s0 =	simm.s32 @p0 $0x1  }
0x13: {  	[smem:$0x3FA0] =	sst s0;
	s0 =	simm.s32 @!p1 $0x0  }
0x14: {  	s2 =	sld [smem:$0x3F84];
	s0 =	simm.s32 @p1 $0x1  }
0x15: {  	[smem:$0x3FA1] =	sst s0;
	s0 =	simm.s32 @!p2 $0x0  }
0x16: {  	s3 =	sld [smem:$0x3FDB];
	s0 =	simm.s32 @p2 $0x1  }
0x17: {  	s4 =	simm.s32 $0x1BF5;
	[smem:$0x3FA3] =	sst s0  }
0x18: {  	s0 =	sld [smem:$0x3F86];
	_ =	swait.ge [sflag:s4], $0x0  }
0x19: {  	s7 =	sld [smem:$0x3F87]  }
0x1a: {  	s8 =	sadd.s32 $0xFFFFE003, lr  }
0x1b: {  	s9 =	sadd.s32 $0xFFFFFEF7, lr;
	s5 =	simm.s32 $0xFFFFFFFF;
	p2 =	slt.u32 s8, $0xFFFFF086  }
0x1c: {  	p1 =	slt.u32 s9, $0xF7A;
	s5 =	simm.s32 @!p2 $0x0  }
0x1d: {  	s5 =	simm.s32 @p1 $0x1;
	p0 =	seq.s32 s7, s2  }
0x1e: {  	s7 =	smul.u32 @!p0 $0xF7A, s2;
	p2 =	seq.s32 @!p0 s5, $0x0  }
0x1f: {  	s9 =	smul.u32 $0xF7A, s1;
	s8 =	simm.s32 @!p0 $0x1BF5;
	p2 =	por !p2, p0  }
0x20: {  	[sflag:s8] =	ssyncset.s32 @!p0 $0xFFFFF086;
	s6 =	sadd.s32 @!p0 s3, s7;
	s7 =	simm.s32 @!p0 $0x108  }
0x21: {  	s3 =	sadd.s32 s3, s9;
	s6 =	sadd.s32 @!p0 $0x88, s6;
	s7 =	simm.s32 @p2 $0x1082  }
0x22: {  	[simem:s7], [sflag:s8] =	dma.local @!p0 [hbm:s6], $0xF7A  }
0x23: {  	s9 =	sor.u32 $0xD0000000, s2;
	s6 =	simm.s32 $0x108;
	_ =	swait.ge @!p0 [sflag:s8], $0x0  }
0x24: {  	s3 =	sadd.s32 $0x88, s3;
	s6 =	simm.s32 @!p1 $0x1082;
	[sflag:s4] =	ssyncset.s32 $0xFFFFF086  }
0x25: {  	[simem:s6], [sflag:s4] =	dma.local [hbm:s3], $0xF7A  }
0x26: {  	[smem:$0x3F87] =	sst s1;
	(tag) =	ssettag s2;
	_ =	strace s9  }
0x27: {  	s1 =	sld [smem:$0x3F97]  }
0x28: {  	s2 =	sld [smem:$0x3F98]  }
0x29: {  	s4 =	sld [smem:$0x3F9A]  }
0x2a: {  	p0 =	seq.s32 s5, $0x0;
	s5 =	sld [smem:$0x3F9B]  }
0x2b: {  	s6 =	sld [smem:$0x3F9C]  }
0x2c: {  	s7 =	sld [smem:$0x3F9D]  }
0x2d: {  	s3 =	simm.s32 $0x108;
	s8 =	sld [smem:$0x3F9E]  }
0x2e: {  	s3 =	simm.s32 @!p0 $0x1082;
	s9 =	sld [smem:$0x3F9F]  }
0x2f: {  	lr =	sadd.s32 s0, s3;
	s0 =	sld [smem:$0x3F96]  }
0x30: {  	s3 =	sld [smem:$0x3F99]  }
0x31: {  	[smem:$0x3FA2] =	sst s10  }
0x32: {  	s10 =	sld [smem:$0x3FA0];
	_ =	sdelay $0x3  }
0x33: {  	p0 =	seq.s32 s10, $0x1;
	s10 =	sld [smem:$0x3FA2];
	_ =	sdelay $0x3  }
0x34: {  	[smem:$0x3FA2] =	sst s10  }
0x35: {  	s10 =	sld [smem:$0x3FA1];
	_ =	sdelay $0x3  }
0x36: {  	p1 =	seq.s32 s10, $0x1;
	s10 =	sld [smem:$0x3FA2];
	_ =	sdelay $0x3  }
0x37: {  	[smem:$0x3FA2] =	sst s10  }
0x38: {  	s10 =	sld [smem:$0x3FA3]  }
0x39: {  	_ = 	snop;
	(pc) =	sbr.ind lr, $3  }
0x3a: {  	_ = 	snop  }
0x3b: {  	_ = 	snop  }
0x3c: {  	p2 =	seq.s32 s10, $0x1;
	s10 =	sld [smem:$0x3FA2]  }
0x3d: {  	_ =	shalt  }
0x3e: {  	_ =	shalt  }
0x3f: {  	_ =	shalt  }
0x40: {  	_ =	shalt  }
0x41: {  	_ =	shalt  }
0x42: {  	_ =	shalt  }
0x43: {  	_ =	shalt  }
0x44: {  	_ =	shalt  }
0x45: {  	_ =	shalt  }
0x46: {  	_ =	shalt  }
0x47: {  	_ =	shalt  }
0x48: {  	_ =	shalt  }
0x49: {  	_ =	shalt  }
0x4a: {  	_ =	shalt  }
0x4b: {  	_ =	shalt  }
0x4c: {  	_ =	shalt  }
0x4d: {  	_ =	shalt  }
0x4e: {  	_ =	shalt  }
0x4f: {  	_ =	shalt  }
0x50: {  	_ =	shalt  }
0x51: {  	_ =	shalt  }
0x52: {  	_ =	shalt  }
0x53: {  	_ =	shalt  }
0x54: {  	_ =	shalt  }
0x55: {  	_ =	shalt  }
0x56: {  	_ =	shalt  }
0x57: {  	_ =	shalt  }
0x58: {  	_ =	shalt  }
0x59: {  	_ =	shalt  }
0x5a: {  	_ =	shalt  }
0x5b: {  	_ =	shalt  }
0x5c: {  	_ =	shalt  }
0x5d: {  	_ =	shalt  }
0x5e: {  	_ =	shalt  }
0x5f: {  	_ =	shalt  }
0x60: {  	_ =	shalt  }
0x61: {  	_ =	shalt  }
0x62: {  	_ =	shalt  }
0x63: {  	_ =	shalt  }
0x64: {  	_ =	shalt  }
0x65: {  	_ =	shalt  }
0x66: {  	_ =	shalt  }
0x67: {  	_ =	shalt  }
0x68: {  	_ =	shalt  }
0x69: {  	_ =	shalt  }
0x6a: {  	_ =	shalt  }
0x6b: {  	_ =	shalt  }
0x6c: {  	_ =	shalt  }
0x6d: {  	_ =	shalt  }
0x6e: {  	_ =	shalt  }
0x6f: {  	_ =	shalt  }
0x70: {  	_ =	shalt  }
0x71: {  	_ =	shalt  }
0x72: {  	_ =	shalt  }
0x73: {  	_ =	shalt  }
0x74: {  	_ =	shalt  }
0x75: {  	_ =	shalt  }
0x76: {  	_ =	shalt  }
0x77: {  	_ =	shalt  }
0x78: {  	_ =	shalt  }
0x79: {  	_ =	shalt  }
0x7a: {  	_ =	shalt  }
0x7b: {  	_ =	shalt  }
0x7c: {  	_ =	shalt  }
0x7d: {  	_ =	shalt  }
0x7e: {  	_ =	shalt  }
0x7f: {  	_ =	shalt  }
0x80: {  	_ =	shalt  }
0x81: {  	_ =	shalt  }
0x82: {  	_ =	shalt  }
0x83: {  	_ =	shalt  }
0x84: {  	_ =	shalt  }
0x85: {  	_ =	shalt  }
0x86: {  	_ =	shalt  }
0x87: {  	_ =	shalt  }
.Lfunc_end0:
.L_simem_size_0:
called_computation_lowered:
.L_overlay_start_0:
0x88: {  	s2 =	sld [smem:$0x3FD9]  }
0x89: {  	s3 =	sld [smem:$0x3FFE];
	_ =	sdelay $0x1  }
0x8a: {  	s1 =	srdreg.scid  }
0x8b: {  	s0 =	sand.u32 $0x1, s1  }
0x8c: {  	s17 =	sshll.u32 s0, $0xA;
	s2 =	sadd.s32 s3, s2  }
0x8d: {  	s2 =	sadd.s32 s2, s17  }
0x8e: {  	[smem:$0x3FAE] =	sst s2  }
0x8f: {  	_ = 	snop  }
0x90: {  	s2 =	sld [smem:$0x3FC9];
	(tm) =	ssettm $0x1  }
0x91: {  	s18 =	sld [smem:$0x3FFB];
	_ =	sdelay $0x3  }
0x92: {  	_ =	strace s18  }
0x93: {  	s3 =	sld [smem:$0x3FFC];
	_ =	sdelay $0x3  }
0x94: {  	_ =	strace s3  }
0x95: {  	s3 =	sld [smem:$0x3FFD];
	_ =	sdelay $0x3  }
0x96: {  	_ =	strace s3  }
0x97: {  	_ =	strace $0x8FFFFFFF  }
0x98: {  	s19 =	sld [smem:$0x3FDB];
	_ =	sdelay $0x1  }
0x99: {  	s4 =	simm.s32 $_scs_section_size  }
0x9a: {  	s5 =	simm.s32 $_size__tile_overlayer_lowered;
	s6 =	simm.s32 $_tile_overlayer_lowered  }
0x9b: {  	s22 =	simm.s32 $0x1BFF;
	s21 =	sshll.u32 s6, $0x1;
	s3 =	sadd.s32 s4, s19  }
0x9c: {  	s7 =	simm.s32 $0x0;
	s20 =	sshll.u32 s5, $0x1;
	s5 =	sadd.s32 s21, s3  }
0x9d: {  	[timem:s7], [sflag:s22] =	dma.local [hbm:s5], s20  }
0x9e: {  	_ =	swait.ge [sflag:s22], s20  }
0x9f: {  	s4 =	ssub.s32 $0x0, s20;
	[sflag:s22] =	ssyncset.done $0x0  }
0xa0: {  	[sflag:s22] =	ssyncadd.s32 s4;
	_ =	sdelay $0x1  }
0xa1: {  	s23 =	simm.s32 $0x1B8B  }
0xa2: {  	_ =	swait.ge [sflag:s23], $0x1  }
0xa3: {  	[sflag:s23] =	ssyncset.done $0x0  }
0xa4: {  	s25 =	simm.s32 $0x1B8E;
	s24 =	sld [smem:$0x3FFE];
	[sflag:s23] =	ssyncadd.s32 $0xFFFFFFFF  }
0xa5: {  	s26 =	simm.s32 $execute0_lowered;
	[smem:$0x3FD2] =	sst s25  }
0xa6: {  	s5 =	sshll.u32 s26, $0x1;
	_ =	strace $0x80000046;
	[dreg:$0x1] =	wrdreg $0xFFFFFFFF  }
0xa7: {  	s28 =	simm.s32 $_size_execute0_lowered;
	s3 =	sadd.s32 s3, s5;
	[dreg:$0x0] =	wrdreg $0x0  }
0xa8: {  	s5 =	sshll.u32 s28, $0x1;
	[dreg:$0x2] =	wrdreg s3  }
0xa9: {  	[dreg:$0x3] =	wrdreg s5  }
0xaa: {  	[dreg:$0x4] =	wrdreg $0xC0  }
0xab: {  	_ =	task [dreg:s7], $0x5FFFF  }
0xac: {  	[dreg:$0x1] =	wrdreg $0xFFFFFFFF  }
0xad: {  	[dreg:$0x0] =	wrdreg $0x60  }
0xae: {  	[dreg:$0x2] =	wrdreg s2  }
0xaf: {  	[dreg:$0x3] =	wrdreg s24  }
0xb0: {  	[dreg:$0x4] =	wrdreg $0x0  }
0xb1: {  	[dreg:$0x5] =	wrdreg $0x9  }
0xb2: {  	_ =	task.clear_ibuf [dreg:s7], $0x6FFFF;
	_ =	strace $0x90000046  }
0xb3: {  	s29 =	simm.s32 $0x9;
	_ =	strace $0x80000048  }
0xb4: {  	_ =	swait.ge [sflag:s29], $0x1  }
0xb5: {  	[sflag:s29] =	ssyncadd.s32 $0xFFFFFFFF  }
0xb6: {  	_ =	strace $0x90000048  }
0xb7: {  	_ =	sfence  }
0xb8: {  	s30 =	sld [smem:$0x0];
	_ =	sdelay $0x2  }
0xb9: {  	s31 =	sshll.u32 s1, $0xD;
	s1 =	sshrl.u32 s1, $0x2  }
0xba: {  	s3 =	sand.u32 $0x4000, s31;
	s1 =	sadd.s32 s1, s30  }
0xbb: {  	s0 =	sor.u32 s3, s0;
	s1 =	sshll.u32 s1, $0x11  }
0xbc: {  	s0 =	sor.u32 s1, s0  }
0xbd: {  	s0 =	sadd.s32 $0x8F2B, s0  }
0xbe: {  	[sflag:s0] =	ssyncadd.remote.s32 $0x1  }
0xbf: {  	_ =	sfence.sel $0xFFFF  }
0xc0: {  	[dreg:$0x0] =	wrdreg $0xFFFFFFFF;
	(pc) =	sbr.abs _section_cstart, $3  }
0xc1: {  	[dreg:$0x1] =	wrdreg $0xFFFFFFFF  }
0xc2: {  	_ =	task.clear_ibuf [dreg:s7], $0x2FFFF;
	_ =	strace $0x9FFFFFFF  }
0xc3: {  	(tm) =	ssettm $0x7FFFFFFF  }
tec
execute0_lowered:
.L_overlay_start_1:
0x0: {  	(tag) =	ssettag $0x1  }
0x1: {  	s1 =	rddreg [dreg:$0x0]  }
0x2: {  	s6 =	rddreg [dreg:$0x1]  }
0x3: {  	s3 =	rddreg [dreg:$0x2];
	s4 =	srdreg.scid  }
0x4: {  	s0 =	rddreg [dreg:$0x3];
	s2 =	stileid.u32;
	s16 =	simm.s32 $0x2  }
0x5: {  	s17 =	simm.s32 $0x17880;
	s18 =	simm.s32 $0x50;
	s19 =	simm.s32 $0x1B880  }
0x6: {  	s20 =	simm.s32 $0x1;
	s21 =	simm.s32 $0x0;
	s26 =	smul.u32 $0x2700, s2  }
0x7: {  	s5 =	sand.u32 $0x1, s4;
	s4 =	simm.s32 $0x0;
	s28 =	smul.u32 $0x4E000, s2  }
0x8: {  	s7 =	sshll.u32 s2, $0xC;
	s10 =	sadd.s32 $0x4CC00, s6;
	s29 =	smul.u32 $0x13800, s2  }
0x9: {  	s15 =	sadd.s32 $0x124800, s3;
	p0 =	seq.s32 s2, $0xF;
	s8 =	sshll.u32 s5, $0xB  }
0xa: {  	[smem:$0x7FF] =	sst s4;
	s11 =	ssub.s32 $0x2, s5;
	s13 =	smul.u32 $0x138800, s5  }
0xb: {  	s7 =	sor.u32 s8, s7;
	_ =	strace $0x80000047;
	s8 =	sadd.s32 s26, s6  }
0xc: {  	s12 =	sshrl.u32 s11, $0x1;
	s9 =	sadd.s32 s7, s6;
	s7 =	sshrl.u32 s28, $0x2  }
0xd: {  	s11 =	ssub.s32 s11, s12;
	s5 =	sadd.s32 $0x25A00, s8;
	s6 =	sadd.s32 $0x4A300, s6  }
0xe: {  	s12 =	sadd.s32 s29, s13;
	s13 =	sshrl.u32 s13, $0x3;
	s14 =	sadd.s32 s7, s3  }
0xf: {  	s7 =	sadd.s32 $0x5A00, s9;
	s8 =	sadd.s32 $0x15A00, s9;
	s30 =	sshrl.u32 s12, $0x3  }
0x10: {  	s31 =	sadd.s32 s10, s13;
	s11 =	smax.u32 s11, $0x1;
	s12 =	sshrl.u32 @p0 s15, $0x3  }
0x11: {  	s13 =	sshll.u32 @!p0 s2, $0x6;
	s15 =	simm.s32 $0x13880;
	s9 =	sadd.s32 s10, s30  }
0x12: {  	s10 =	sadd.s32 $0x24900, s31;
	s13 =	sor.u32 @!p0 $0x1C02, s13;
	s14 =	sshrl.u32 @!p0 s14, $0x3  }
.LBB2_1:
0x13: {  	s22 =	simm.s32 @p0 $0x1FC2  }
0x14: {  	[spmem:s12], [sflag:s22] =	dma.local @p0 [hbm:s6], $0x2800  }
0x15: {  	s22 =	simm.s32 @p0 $0x2  }
0x16: {  	_ =	swait.ge @p0 [sflag:s22], $0x2800  }
0x17: {  	[sflag:s22] =	ssyncset.done @p0 $0x0  }
0x18: {  	[sflag:s22] =	ssyncadd.s32 @p0 $0xFFFFD800;
	s22 =	simm.s32 @!p0 $0x2  }
0x19: {  	[spmem:s14], [sflag:s13] =	dma.local @!p0 [hbm:s5], $0x2700  }
0x1a: {  	_ =	swait.ge @!p0 [sflag:s22], $0x2700  }
0x1b: {  	[sflag:s22] =	ssyncset.done @!p0 $0x0  }
0x1c: {  	[sflag:s22] =	ssyncadd.s32 @!p0 $0xFFFFD900  }
0x1d: {  	[bflag:$0x0] =	sbarrier.arrive $0xFFFF  }
0x1e: {  	[tilespmem:s15], [sflag:$0x2] =	stream.linear.gather [hbm4b:s7+s4], $0x3E80, $0x38;
	[tilespmem:$0x1E080] =	vst v63  }
0x1f: {  	_ =	swait.ge [sflag:s16], $0x3E80  }
0x20: {  	[sflag:s16] =	ssyncset.done $0x0  }
0x21: {  	[sflag:s16] =	ssyncadd.s32 $0xFFFFC180  }
0x22: {  	[tilespmem:s17], [sflag:$0x2] =	stream.linear.gather [hbm4b:s8+s4], $0x3E80, $0x38;
	[tilespmem:$0x1E080] =	vst v63  }
0x23: {  	_ =	swait.ge [sflag:s16], $0x3E80  }
0x24: {  	[sflag:s16] =	ssyncset.done $0x0  }
0x25: {  	s30 =	simm.s32 $0x13880;
	[sflag:s16] =	ssyncadd.s32 $0xFFFFC180  }
0x26: {  	[tilespmem:s19], [sflag:$0x1] =	stream.indirect.gather [hbm4b:s1+s18], $0x80, s30, s18, $0xb8;
	[tilespmem:$0x1E080] =	vst v63  }
0x27: {  	_ =	swait.ge [sflag:s20], $0x2800  }
0x28: {  	[sflag:s20] =	ssyncset.done $0x0  }
0x29: {  	s31 =	simm.s32 $0x17880;
	[sflag:s20] =	ssyncadd.s32 $0xFFFFD800  }
0x2a: {  	[spmem:s3] =	stream.indirect.scatter.add.f32 [tilespmem:s19], [sflag:$0x2], $0x80, s31, s18, $0xb8;
	[tilespmem:$0x1E080] =	vst v63  }
0x2b: {  	_ =	swait.ge [sflag:s16], $0x2800  }
0x2c: {  	s23 =	simm.s32 $0x400;
	s22 =	simm.s32 $0x80;
	[sflag:s16] =	ssyncset.done $0x0  }
.LBB2_2:
0x2d: {  	s24 =	sadd.s32 $0x13880, s22  }
0x2e: {  	[sflag:s16] =	ssyncadd.s32 $0xFFFFD800;
	s25 =	smov.u32 s23;
	s26 =	sadd.s32 $0x200, s23  }
0x2f: {  	[tilespmem:s19], [sflag:$0x1] =	stream.indirect.gather [hbm4b:s1+s18], $0x80, s24, s18, $0xb8;
	[tilespmem:$0x1E080] =	vst v63  }
0x30: {  	p1 =	sne.s32 s23, $0xF800;
	_ =	swait.ge [sflag:s20], $0x2800  }
.Ltmp0:
0x31: {  	[sflag:s20] =	ssyncset.done $0x0;
	(pc) =	sbr.rel @p1 .LBB2_2-.Ltmp0, $4  }
0x32: {  	s22 =	sadd.s32 $0x17880, s22;
	[sflag:s20] =	ssyncadd.s32 $0xFFFFD800  }
0x33: {  	[spmem:s3] =	stream.indirect.scatter.add.f32 [tilespmem:s19], [sflag:$0x2], $0x80, s22, s18, $0xb8;
	[tilespmem:$0x1E080] =	vst v63  }
0x34: {  	_ =	swait.ge [sflag:s16], $0x2800  }
0x35: {  	s23 =	smov.u32 s26;
	s22 =	sshra.s32 s25, $0x2;
	[sflag:s16] =	ssyncset.done $0x0  }
0x36: {  	s23 =	sadd.s32 $0x13880, s22;
	[sflag:s16] =	ssyncadd.s32 $0xFFFFD800  }
0x37: {  	[tilespmem:s19], [sflag:$0x1] =	stream.indirect.gather [hbm4b:s1+s18], $0x80, s23, s18, $0xb8;
	[tilespmem:$0x1E080] =	vst v63  }
0x38: {  	_ =	swait.ge [sflag:s20], $0x2800  }
0x39: {  	[sflag:s20] =	ssyncset.done $0x0  }
0x3a: {  	s31 =	sadd.s32 $0x17880, s22;
	[sflag:s20] =	ssyncadd.s32 $0xFFFFD800  }
0x3b: {  	[spmem:s3] =	stream.indirect.scatter.add.f32 [tilespmem:s19], [sflag:$0x2], $0x80, s31, s18, $0xb8;
	[tilespmem:$0x1E080] =	vst v63  }
0x3c: {  	_ =	swait.ge [sflag:s16], $0x2800  }
0x3d: {  	[sflag:s16] =	ssyncset.done $0x0  }
0x3e: {  	[sflag:s16] =	ssyncadd.s32 $0xFFFFD800  }
0x3f: {  	s22 =	simm.s32 @p0 $0x1FC2;
	[bflag:$0x0] =	sbarrier.arrive $0xFFFF  }
0x40: {  	[hbm:s10], [sflag:s22] =	dma.local @p0 [spmem:s12], $0x2800  }
0x41: {  	s22 =	simm.s32 @p0 $0x2  }
0x42: {  	s21 =	sadd.s32 $0x1, s21;
	_ =	swait.ge @p0 [sflag:s22], $0x2800  }
0x43: {  	p1 =	sne.s32 s21, s11;
	[sflag:s22] =	ssyncset.done @p0 $0x0  }
.Ltmp1:
0x44: {  	[sflag:s22] =	ssyncadd.s32 @p0 $0xFFFFD800;
	s22 =	simm.s32 @!p0 $0x2;
	(pc) =	sbr.rel @p1 .LBB2_1-.Ltmp1, $4  }
0x45: {  	[hbm:s9], [sflag:s13] =	dma.local @!p0 [spmem:s14], $0x2700  }
0x46: {  	_ =	swait.ge @!p0 [sflag:s22], $0x2700  }
0x47: {  	[sflag:s22] =	ssyncset.done @!p0 $0x0  }
0x48: {  	[sflag:s22] =	ssyncadd.s32 @!p0 $0xFFFFD900  }
0x49: {  	_ =	sfence.sel $0x180000  }
0x4a: {  	[bflag:$0x0] =	sbarrier.arrive $0xFFFF  }
0x4b: {  	p0 =	sne.s32 s2, $0x0;
	_ =	strace $0x90000047  }
0x4c: {  	s0 =	sadd.s32 @!p0 $0x100000, s0;
	[bflag:$0x2] =	sbarrier.arrive $0xFFFF  }
0x4d: {  	[sflag:s0] =	ssyncadd.tile.s32 @!p0 $0x1;
	_ =	shalt  }
.Lfunc_end2:
_tile_overlayer_lowered:
.L_overlay_start_2:
0x4e: {  	(tag) =	ssettag $0x2  }
0x4f: {  	s0 =	rddreg [dreg:$0x0];
	s2 =	stileid.u32  }
0x50: {  	s1 =	rddreg [dreg:$0x1];
	p0 =	sne.s32 s2, $0x0  }
0x51: {  	s3 =	rddreg [dreg:$0x2];
	[bflag:$0x3] =	sbarrier.arrive $0xFFFF;
	s2 =	simm.s32 @!p0 $0x1C02  }
0x52: {  	[timem:s3], [sflag:s2] =	dma.local @!p0 [hbm:s0], s1  }
0x53: {  	s0 =	simm.s32 @!p0 $0x2  }
0x54: {  	_ =	swait.ge @!p0 [sflag:s0], s1  }
0x55: {  	s1 =	ssub.s32 @!p0 $0x0, s1;
	[sflag:s0] =	ssyncset.done @!p0 $0x0  }
0x56: {  	[sflag:s0] =	ssyncadd.s32 @!p0 s1  }
0x57: {  	[bflag:$0x3] =	sbarrier.arrive $0xFFFF  }
0x58: {  	_ =	shalt  }

// kernel: kernel.15.cloned.1.call-start
scs
__scs_entry_jumppad:
0x0: {  	(pc) =	sbr.rel $0x88, $3  }
0x1: {  	(tag) =	ssettag $0x0;
	lr =	simm.s32 $0x1  }
0x2: {  	[smem:$0x3F87] =	sst lr;
	_ =	strace $0xD0000000  }
0x3: {  	_ = 	snop  }
0x4: {  	_ = 	snop  }
0x5: {  	_ = 	snop  }
0x6: {  	_ = 	snop  }
0x7: {  	_ = 	snop  }
__scs_overlays_trampoline_lowered:
0x8: {  	[smem:$0x3F96] =	sst s0  }
0x9: {  	[smem:$0x3F97] =	sst s1  }
0xa: {  	[smem:$0x3F98] =	sst s2  }
0xb: {  	[smem:$0x3F99] =	sst s3  }
0xc: {  	[smem:$0x3F9A] =	sst s4  }
0xd: {  	[smem:$0x3F9B] =	sst s5  }
0xe: {  	[smem:$0x3F9C] =	sst s6  }
0xf: {  	[smem:$0x3F9D] =	sst s7  }
0x10: {  	[smem:$0x3F9E] =	sst s8  }
0x11: {  	[smem:$0x3F9F] =	sst s9;
	s0 =	simm.s32 @!p0 $0x0  }
0x12: {  	s1 =	sld [smem:$0x3F85];
	s0 =	simm.s32 @p0 $0x1  }
0x13: {  	[smem:$0x3FA0] =	sst s0;
	s0 =	simm.s32 @!p1 $0x0  }
0x14: {  	s2 =	sld [smem:$0x3F84];
	s0 =	simm.s32 @p1 $0x1  }
0x15: {  	[smem:$0x3FA1] =	sst s0;
	s0 =	simm.s32 @!p2 $0x0  }
0x16: {  	s3 =	sld [smem:$0x3FDB];
	s0 =	simm.s32 @p2 $0x1  }
0x17: {  	s4 =	simm.s32 $0x1BF5;
	[smem:$0x3FA3] =	sst s0  }
0x18: {  	s0 =	sld [smem:$0x3F86];
	_ =	swait.ge [sflag:s4], $0x0  }
0x19: {  	s7 =	sld [smem:$0x3F87]  }
0x1a: {  	s8 =	sadd.s32 $0xFFFFE003, lr  }
0x1b: {  	s9 =	sadd.s32 $0xFFFFFEF7, lr;
	s5 =	simm.s32 $0xFFFFFFFF;
	p2 =	slt.u32 s8, $0xFFFFF086  }
0x1c: {  	p1 =	slt.u32 s9, $0xF7A;
	s5 =	simm.s32 @!p2 $0x0  }
0x1d: {  	s5 =	simm.s32 @p1 $0x1;
	p0 =	seq.s32 s7, s2  }
0x1e: {  	s7 =	smul.u32 @!p0 $0xF7A, s2;
	p2 =	seq.s32 @!p0 s5, $0x0  }
0x1f: {  	s9 =	smul.u32 $0xF7A, s1;
	s8 =	simm.s32 @!p0 $0x1BF5;
	p2 =	por !p2, p0  }
0x20: {  	[sflag:s8] =	ssyncset.s32 @!p0 $0xFFFFF086;
	s6 =	sadd.s32 @!p0 s3, s7;
	s7 =	simm.s32 @!p0 $0x108  }
0x21: {  	s3 =	sadd.s32 s3, s9;
	s6 =	sadd.s32 @!p0 $0x88, s6;
	s7 =	simm.s32 @p2 $0x1082  }
0x22: {  	[simem:s7], [sflag:s8] =	dma.local @!p0 [hbm:s6], $0xF7A  }
0x23: {  	s9 =	sor.u32 $0xD0000000, s2;
	s6 =	simm.s32 $0x108;
	_ =	swait.ge @!p0 [sflag:s8], $0x0  }
0x24: {  	s3 =	sadd.s32 $0x88, s3;
	s6 =	simm.s32 @!p1 $0x1082;
	[sflag:s4] =	ssyncset.s32 $0xFFFFF086  }
0x25: {  	[simem:s6], [sflag:s4] =	dma.local [hbm:s3], $0xF7A  }
0x26: {  	[smem:$0x3F87] =	sst s1;
	(tag) =	ssettag s2;
	_ =	strace s9  }
0x27: {  	s1 =	sld [smem:$0x3F97]  }
0x28: {  	s2 =	sld [smem:$0x3F98]  }
0x29: {  	s4 =	sld [smem:$0x3F9A]  }
0x2a: {  	p0 =	seq.s32 s5, $0x0;
	s5 =	sld [smem:$0x3F9B]  }
0x2b: {  	s6 =	sld [smem:$0x3F9C]  }
0x2c: {  	s7 =	sld [smem:$0x3F9D]  }
0x2d: {  	s3 =	simm.s32 $0x108;
	s8 =	sld [smem:$0x3F9E]  }
0x2e: {  	s3 =	simm.s32 @!p0 $0x1082;
	s9 =	sld [smem:$0x3F9F]  }
0x2f: {  	lr =	sadd.s32 s0, s3;
	s0 =	sld [smem:$0x3F96]  }
0x30: {  	s3 =	sld [smem:$0x3F99]  }
0x31: {  	[smem:$0x3FA2] =	sst s10  }
0x32: {  	s10 =	sld [smem:$0x3FA0];
	_ =	sdelay $0x3  }
0x33: {  	p0 =	seq.s32 s10, $0x1;
	s10 =	sld [smem:$0x3FA2];
	_ =	sdelay $0x3  }
0x34: {  	[smem:$0x3FA2] =	sst s10  }
0x35: {  	s10 =	sld [smem:$0x3FA1];
	_ =	sdelay $0x3  }
0x36: {  	p1 =	seq.s32 s10, $0x1;
	s10 =	sld [smem:$0x3FA2];
	_ =	sdelay $0x3  }
0x37: {  	[smem:$0x3FA2] =	sst s10  }
0x38: {  	s10 =	sld [smem:$0x3FA3]  }
0x39: {  	_ = 	snop;
	(pc) =	sbr.ind lr, $3  }
0x3a: {  	_ = 	snop  }
0x3b: {  	_ = 	snop  }
0x3c: {  	p2 =	seq.s32 s10, $0x1;
	s10 =	sld [smem:$0x3FA2]  }
0x3d: {  	_ =	shalt  }
0x3e: {  	_ =	shalt  }
0x3f: {  	_ =	shalt  }
0x40: {  	_ =	shalt  }
0x41: {  	_ =	shalt  }
0x42: {  	_ =	shalt  }
0x43: {  	_ =	shalt  }
0x44: {  	_ =	shalt  }
0x45: {  	_ =	shalt  }
0x46: {  	_ =	shalt  }
0x47: {  	_ =	shalt  }
0x48: {  	_ =	shalt  }
0x49: {  	_ =	shalt  }
0x4a: {  	_ =	shalt  }
0x4b: {  	_ =	shalt  }
0x4c: {  	_ =	shalt  }
0x4d: {  	_ =	shalt  }
0x4e: {  	_ =	shalt  }
0x4f: {  	_ =	shalt  }
0x50: {  	_ =	shalt  }
0x51: {  	_ =	shalt  }
0x52: {  	_ =	shalt  }
0x53: {  	_ =	shalt  }
0x54: {  	_ =	shalt  }
0x55: {  	_ =	shalt  }
0x56: {  	_ =	shalt  }
0x57: {  	_ =	shalt  }
0x58: {  	_ =	shalt  }
0x59: {  	_ =	shalt  }
0x5a: {  	_ =	shalt  }
0x5b: {  	_ =	shalt  }
0x5c: {  	_ =	shalt  }
0x5d: {  	_ =	shalt  }
0x5e: {  	_ =	shalt  }
0x5f: {  	_ =	shalt  }
0x60: {  	_ =	shalt  }
0x61: {  	_ =	shalt  }
0x62: {  	_ =	shalt  }
0x63: {  	_ =	shalt  }
0x64: {  	_ =	shalt  }
0x65: {  	_ =	shalt  }
0x66: {  	_ =	shalt  }
0x67: {  	_ =	shalt  }
0x68: {  	_ =	shalt  }
0x69: {  	_ =	shalt  }
0x6a: {  	_ =	shalt  }
0x6b: {  	_ =	shalt  }
0x6c: {  	_ =	shalt  }
0x6d: {  	_ =	shalt  }
0x6e: {  	_ =	shalt  }
0x6f: {  	_ =	shalt  }
0x70: {  	_ =	shalt  }
0x71: {  	_ =	shalt  }
0x72: {  	_ =	shalt  }
0x73: {  	_ =	shalt  }
0x74: {  	_ =	shalt  }
0x75: {  	_ =	shalt  }
0x76: {  	_ =	shalt  }
0x77: {  	_ =	shalt  }
0x78: {  	_ =	shalt  }
0x79: {  	_ =	shalt  }
0x7a: {  	_ =	shalt  }
0x7b: {  	_ =	shalt  }
0x7c: {  	_ =	shalt  }
0x7d: {  	_ =	shalt  }
0x7e: {  	_ =	shalt  }
0x7f: {  	_ =	shalt  }
0x80: {  	_ =	shalt  }
0x81: {  	_ =	shalt  }
0x82: {  	_ =	shalt  }
0x83: {  	_ =	shalt  }
0x84: {  	_ =	shalt  }
0x85: {  	_ =	shalt  }
0x86: {  	_ =	shalt  }
0x87: {  	_ =	shalt  }
.Lfunc_end0:
.L_simem_size_0:
called_computation.1_lowered:
.L_overlay_start_0:
0x88: {  	s2 =	sld [smem:$0x3FD9]  }
0x89: {  	s3 =	sld [smem:$0x3FFE];
	_ =	sdelay $0x1  }
0x8a: {  	s1 =	srdreg.scid  }
0x8b: {  	s0 =	sand.u32 $0x1, s1  }
0x8c: {  	s16 =	sshll.u32 s0, $0xA;
	s2 =	sadd.s32 s3, s2  }
0x8d: {  	s2 =	sadd.s32 s2, s16  }
0x8e: {  	[smem:$0x3FAE] =	sst s2  }
0x8f: {  	_ = 	snop  }
0x90: {  	(tm) =	ssettm $0x1  }
0x91: {  	s17 =	sld [smem:$0x3FFB];
	_ =	sdelay $0x3  }
0x92: {  	_ =	strace s17  }
0x93: {  	s2 =	sld [smem:$0x3FFC];
	_ =	sdelay $0x3  }
0x94: {  	_ =	strace s2  }
0x95: {  	s2 =	sld [smem:$0x3FFD];
	_ =	sdelay $0x3  }
0x96: {  	_ =	strace s2  }
0x97: {  	_ =	strace $0x8FFFFFFF  }
0x98: {  	s18 =	sld [smem:$0x3FDB];
	_ =	sdelay $0x1  }
0x99: {  	s19 =	simm.s32 $_scs_section_size  }
0x9a: {  	s4 =	simm.s32 $_size__tile_overlayer_lowered;
	s5 =	simm.s32 $_tile_overlayer_lowered  }
0x9b: {  	s22 =	simm.s32 $0x1BFF;
	s21 =	sshll.u32 s5, $0x1;
	s2 =	sadd.s32 s19, s18  }
0x9c: {  	s6 =	simm.s32 $0x0;
	s20 =	sshll.u32 s4, $0x1;
	s4 =	sadd.s32 s21, s2  }
0x9d: {  	[timem:s6], [sflag:s22] =	dma.local [hbm:s4], s20  }
0x9e: {  	_ =	swait.ge [sflag:s22], s20  }
0x9f: {  	s3 =	ssub.s32 $0x0, s20;
	[sflag:s22] =	ssyncset.done $0x0  }
0xa0: {  	[sflag:s22] =	ssyncadd.s32 s3;
	_ =	sdelay $0x1  }
0xa1: {  	s23 =	simm.s32 $0x1B8B  }
0xa2: {  	_ =	swait.ge [sflag:s23], $0x1  }
0xa3: {  	[sflag:s23] =	ssyncset.done $0x0  }
0xa4: {  	s25 =	simm.s32 $0x1B8E;
	s24 =	sld [smem:$0x3FFE];
	[sflag:s23] =	ssyncadd.s32 $0xFFFFFFFF  }
0xa5: {  	s26 =	simm.s32 $execute0_lowered;
	[smem:$0x3FD2] =	sst s25  }
0xa6: {  	s4 =	sshll.u32 s26, $0x1;
	_ =	strace $0x80000049;
	[dreg:$0x1] =	wrdreg $0xFFFFFFFF  }
0xa7: {  	s28 =	simm.s32 $_size_execute0_lowered;
	s2 =	sadd.s32 s2, s4;
	[dreg:$0x0] =	wrdreg $0x0  }
0xa8: {  	s4 =	sshll.u32 s28, $0x1;
	[dreg:$0x2] =	wrdreg s2  }
0xa9: {  	[dreg:$0x3] =	wrdreg s4  }
0xaa: {  	[dreg:$0x4] =	wrdreg $0xC0  }
0xab: {  	_ =	task [dreg:s6], $0x5FFFF  }
0xac: {  	[dreg:$0x1] =	wrdreg $0xFFFFFFFF  }
0xad: {  	[dreg:$0x0] =	wrdreg $0x60  }
0xae: {  	[dreg:$0x2] =	wrdreg s24  }
0xaf: {  	[dreg:$0x3] =	wrdreg $0x0  }
0xb0: {  	[dreg:$0x4] =	wrdreg $0x9  }
0xb1: {  	_ =	task.clear_ibuf [dreg:s6], $0x5FFFF;
	_ =	strace $0x90000049  }
0xb2: {  	s29 =	simm.s32 $0x9;
	_ =	strace $0x8000004B  }
0xb3: {  	_ =	swait.ge [sflag:s29], $0x1  }
0xb4: {  	[sflag:s29] =	ssyncadd.s32 $0xFFFFFFFF  }
0xb5: {  	_ =	strace $0x9000004B  }
0xb6: {  	_ =	sfence  }
0xb7: {  	s30 =	sld [smem:$0x0];
	_ =	sdelay $0x2  }
0xb8: {  	s31 =	sshll.u32 s1, $0xD;
	s1 =	sshrl.u32 s1, $0x2  }
0xb9: {  	s3 =	sand.u32 $0x4000, s31;
	s1 =	sadd.s32 s1, s30  }
0xba: {  	s0 =	sor.u32 s3, s0;
	s1 =	sshll.u32 s1, $0x11  }
0xbb: {  	s0 =	sor.u32 s1, s0  }
0xbc: {  	s0 =	sadd.s32 $0x8F2B, s0  }
0xbd: {  	[sflag:s0] =	ssyncadd.remote.s32 $0x1  }
0xbe: {  	_ =	sfence.sel $0xFFFF  }
0xbf: {  	[dreg:$0x0] =	wrdreg $0xFFFFFFFF;
	(pc) =	sbr.abs _section_cstart, $3  }
0xc0: {  	[dreg:$0x1] =	wrdreg $0xFFFFFFFF  }
0xc1: {  	_ =	task.clear_ibuf [dreg:s6], $0x2FFFF;
	_ =	strace $0x9FFFFFFF  }
0xc2: {  	(tm) =	ssettm $0x7FFFFFFF  }
0xc3: {  	_ =	shalt  }
tec
execute0_lowered:
.L_overlay_start_1:
0x0: {  	(tag) =	ssettag $0x1  }
0x1: {  	s6 =	rddreg [dreg:$0x0]  }
0x2: {  	s2 =	rddreg [dreg:$0x1]  }
0x3: {  	s0 =	rddreg [dreg:$0x2];
	s4 =	srdreg.scid  }
0x4: {  	s3 =	simm.s32 $0x0;
	s1 =	stileid.u32;
	s16 =	simm.s32 $0x2  }
0x5: {  	s17 =	simm.s32 $0x17880;
	s18 =	simm.s32 $0x50;
	s19 =	simm.s32 $0x1B880  }
0x6: {  	s20 =	simm.s32 $0x1;
	s21 =	simm.s32 $0x0;
	s5 =	sand.u32 $0x1, s4  }
0x7: {  	[smem:$0x7FF] =	sst s3;
	s26 =	sshll.u32 s1, $0xC;
	s8 =	smul.u32 $0x2700, s1  }
0x8: {  	s4 =	sadd.s32 $0x4CC00, s6;
	s28 =	smul.u32 $0x4E000, s1;
	s10 =	sadd.s32 $0x73E00, s6  }
0x9: {  	s29 =	smul.u32 $0x13800, s1;
	s15 =	sadd.s32 $0x124800, s2;
	p0 =	seq.s32 s1, $0xF  }
0xa: {  	s7 =	sshll.u32 s5, $0xB;
	_ =	strace $0x8000004A;
	s11 =	ssub.s32 $0x2, s5  }
0xb: {  	s13 =	smul.u32 $0x138800, s5;
	s7 =	sor.u32 s7, s26;
	s8 =	sadd.s32 s8, s6  }
0xc: {  	s12 =	sshrl.u32 s11, $0x1;
	s9 =	sadd.s32 s7, s6;
	s7 =	sshrl.u32 s28, $0x2  }
0xd: {  	s11 =	ssub.s32 s11, s12;
	s5 =	sadd.s32 $0x25A00, s8;
	s6 =	sadd.s32 $0x4A300, s6  }
0xe: {  	s12 =	sadd.s32 s29, s13;
	s13 =	sshrl.u32 s13, $0x3;
	s14 =	sadd.s32 s7, s2  }
0xf: {  	s7 =	sadd.s32 $0x5A00, s9;
	s8 =	sadd.s32 $0x15A00, s9;
	s30 =	sshrl.u32 s12, $0x3  }
0x10: {  	s31 =	sadd.s32 s10, s13;
	s11 =	smax.u32 s11, $0x1;
	s12 =	sshrl.u32 @p0 s15, $0x3  }
0x11: {  	s13 =	sshll.u32 @!p0 s1, $0x6;
	s15 =	simm.s32 $0x13880;
	s9 =	sadd.s32 s10, s30  }
0x12: {  	s10 =	sadd.s32 $0x24900, s31;
	s13 =	sor.u32 @!p0 $0x1C02, s13;
	s14 =	sshrl.u32 @!p0 s14, $0x3  }
.LBB2_1:
0x13: {  	s22 =	simm.s32 @p0 $0x1FC2  }
0x14: {  	[spmem:s12], [sflag:s22] =	dma.local @p0 [hbm:s6], $0x2800  }
0x15: {  	s22 =	simm.s32 @p0 $0x2  }
0x16: {  	_ =	swait.ge @p0 [sflag:s22], $0x2800  }
0x17: {  	[sflag:s22] =	ssyncset.done @p0 $0x0  }
0x18: {  	[sflag:s22] =	ssyncadd.s32 @p0 $0xFFFFD800;
	s22 =	simm.s32 @!p0 $0x2  }
0x19: {  	[spmem:s14], [sflag:s13] =	dma.local @!p0 [hbm:s5], $0x2700  }
0x1a: {  	_ =	swait.ge @!p0 [sflag:s22], $0x2700  }
0x1b: {  	[sflag:s22] =	ssyncset.done @!p0 $0x0  }
0x1c: {  	[sflag:s22] =	ssyncadd.s32 @!p0 $0xFFFFD900  }
0x1d: {  	[bflag:$0x0] =	sbarrier.arrive $0xFFFF  }
0x1e: {  	[tilespmem:s15], [sflag:$0x2] =	stream.linear.gather [hbm4b:s7+s3], $0x3E80, $0x38;
	[tilespmem:$0x1E080] =	vst v63  }
0x1f: {  	_ =	swait.ge [sflag:s16], $0x3E80  }
0x20: {  	[sflag:s16] =	ssyncset.done $0x0  }
0x21: {  	[sflag:s16] =	ssyncadd.s32 $0xFFFFC180  }
0x22: {  	[tilespmem:s17], [sflag:$0x2] =	stream.linear.gather [hbm4b:s8+s3], $0x3E80, $0x38;
	[tilespmem:$0x1E080] =	vst v63  }
0x23: {  	_ =	swait.ge [sflag:s16], $0x3E80  }
0x24: {  	[sflag:s16] =	ssyncset.done $0x0  }
0x25: {  	s30 =	simm.s32 $0x13880;
	[sflag:s16] =	ssyncadd.s32 $0xFFFFC180  }
0x26: {  	[tilespmem:s19], [sflag:$0x1] =	stream.indirect.gather [hbm4b:s4+s18], $0x80, s30, s18, $0xb8;
	[tilespmem:$0x1E080] =	vst v63  }
0x27: {  	_ =	swait.ge [sflag:s20], $0x2800  }
0x28: {  	[sflag:s20] =	ssyncset.done $0x0  }
0x29: {  	s31 =	simm.s32 $0x17880;
	[sflag:s20] =	ssyncadd.s32 $0xFFFFD800  }
0x2a: {  	[spmem:s2] =	stream.indirect.scatter.add.f32 [tilespmem:s19], [sflag:$0x2], $0x80, s31, s18, $0xb8;
	[tilespmem:$0x1E080] =	vst v63  }
0x2b: {  	_ =	swait.ge [sflag:s16], $0x2800  }
0x2c: {  	s23 =	simm.s32 $0x400;
	s22 =	simm.s32 $0x80;
	[sflag:s16] =	ssyncset.done $0x0  }
.LBB2_2:
0x2d: {  	s24 =	sadd.s32 $0x13880, s22  }
0x2e: {  	[sflag:s16] =	ssyncadd.s32 $0xFFFFD800;
	s25 =	smov.u32 s23;
	s26 =	sadd.s32 $0x200, s23  }
0x2f: {  	[tilespmem:s19], [sflag:$0x1] =	stream.indirect.gather [hbm4b:s4+s18], $0x80, s24, s18, $0xb8;
	[tilespmem:$0x1E080] =	vst v63  }
0x30: {  	p1 =	sne.s32 s23, $0xF800;
	_ =	swait.ge [sflag:s20], $0x2800  }
.Ltmp0:
0x31: {  	[sflag:s20] =	ssyncset.done $0x0;
	(pc) =	sbr.rel @p1 .LBB2_2-.Ltmp0, $4  }
0x32: {  	s22 =	sadd.s32 $0x17880, s22;
	[sflag:s20] =	ssyncadd.s32 $0xFFFFD800  }
0x33: {  	[spmem:s2] =	stream.indirect.scatter.add.f32 [tilespmem:s19], [sflag:$0x2], $0x80, s22, s18, $0xb8;
	[tilespmem:$0x1E080] =	vst v63  }
0x34: {  	_ =	swait.ge [sflag:s16], $0x2800  }
0x35: {  	s23 =	smov.u32 s26;
	s22 =	sshra.s32 s25, $0x2;
	[sflag:s16] =	ssyncset.done $0x0  }
0x36: {  	s23 =	sadd.s32 $0x13880, s22;
	[sflag:s16] =	ssyncadd.s32 $0xFFFFD800  }
0x37: {  	[tilespmem:s19], [sflag:$0x1] =	stream.indirect.gather [hbm4b:s4+s18], $0x80, s23, s18, $0xb8;
	[tilespmem:$0x1E080] =	vst v63  }
0x38: {  	_ =	swait.ge [sflag:s20], $0x2800  }
0x39: {  	[sflag:s20] =	ssyncset.done $0x0  }
0x3a: {  	s31 =	sadd.s32 $0x17880, s22;
	[sflag:s20] =	ssyncadd.s32 $0xFFFFD800  }
0x3b: {  	[spmem:s2] =	stream.indirect.scatter.add.f32 [tilespmem:s19], [sflag:$0x2], $0x80, s31, s18, $0xb8;
	[tilespmem:$0x1E080] =	vst v63  }
0x3c: {  	_ =	swait.ge [sflag:s16], $0x2800  }
0x3d: {  	[sflag:s16] =	ssyncset.done $0x0  }
0x3e: {  	[sflag:s16] =	ssyncadd.s32 $0xFFFFD800  }
0x3f: {  	s22 =	simm.s32 @p0 $0x1FC2;
	[bflag:$0x0] =	sbarrier.arrive $0xFFFF  }
0x40: {  	[hbm:s10], [sflag:s22] =	dma.local @p0 [spmem:s12], $0x2800  }
0x41: {  	s22 =	simm.s32 @p0 $0x2  }
0x42: {  	s21 =	sadd.s32 $0x1, s21;
	_ =	swait.ge @p0 [sflag:s22], $0x2800  }
0x43: {  	p1 =	sne.s32 s21, s11;
	[sflag:s22] =	ssyncset.done @p0 $0x0  }
.Ltmp1:
0x44: {  	[sflag:s22] =	ssyncadd.s32 @p0 $0xFFFFD800;
	s22 =	simm.s32 @!p0 $0x2;
	(pc) =	sbr.rel @p1 .LBB2_1-.Ltmp1, $4  }
0x45: {  	[hbm:s9], [sflag:s13] =	dma.local @!p0 [spmem:s14], $0x2700  }
0x46: {  	_ =	swait.ge @!p0 [sflag:s22], $0x2700  }
0x47: {  	[sflag:s22] =	ssyncset.done @!p0 $0x0  }
0x48: {  	[sflag:s22] =	ssyncadd.s32 @!p0 $0xFFFFD900  }
0x49: {  	_ =	sfence.sel $0x180000  }
0x4a: {  	[bflag:$0x0] =	sbarrier.arrive $0xFFFF  }
0x4b: {  	p0 =	sne.s32 s1, $0x0;
	_ =	strace $0x9000004A  }
0x4c: {  	s0 =	sadd.s32 @!p0 $0x100000, s0;
	[bflag:$0x2] =	sbarrier.arrive $0xFFFF  }
0x4d: {  	[sflag:s0] =	ssyncadd.tile.s32 @!p0 $0x1;
	_ =	shalt  }
.Lfunc_end2:
_tile_overlayer_lowered:
.L_overlay_start_2:
0x4e: {  	(tag) =	ssettag $0x2  }
0x4f: {  	s0 =	rddreg [dreg:$0x0];
	s2 =	stileid.u32  }
0x50: {  	s1 =	rddreg [dreg:$0x1];
	p0 =	sne.s32 s2, $0x0  }
0x51: {  	s3 =	rddreg [dreg:$0x2];
	[bflag:$0x3] =	sbarrier.arrive $0xFFFF;
	s2 =	simm.s32 @!p0 $0x1C02  }
0x52: {  	[timem:s3], [sflag:s2] =	dma.local @!p0 [hbm:s0], s1  }
0x53: {  	s0 =	simm.s32 @!p0 $0x2  }
0x54: {  	_ =	swait.ge @!p0 [sflag:s0], s1  }
0x55: {  	s1 =	ssub.s32 @!p0 $0x0, s1;
	[sflag:s0] =	ssyncset.done @!p0 $0x0  }
0x56: {  	[sflag:s0] =	ssyncadd.s32 @!p0 s1  }
0x57: {  	[bflag:$0x3] =	sbarrier.arrive $0xFFFF  }
0x58: {  	_ =	shalt  }

</sc_bundles>
